<compile_context>
chip_gen: v7x
topology: tpu7x:2x2x1
jax: 0.10.2.dev20260603
libtpu: 0.0.44.dev20260713+nightly
codegen_flags: <defaults>
</compile_context>

<pallas_src>
import functools

import jax
import jax.numpy as jnp
from jax import lax
from jax.experimental import pallas as pl
from jax.experimental.pallas import tpu as pltpu
from jax.experimental.pallas import tpu_sc as plsc

NUM_NODES = 1000000
NODE_DIM = 64
PATH_LEN = 16384

NC = 2
NS = 16
NW = NC * NS
BPW = PATH_LEN // NW
CHUNK = 128
NCHUNK = BPW // CHUNK


def _body(path_hbm, mask_hbm, table_hbm, out_hbm,
          idx_v, mask_v, maskf_v, rows_v, sem):
    wid = lax.axis_index("s") * NC + lax.axis_index("c")
    base = wid * BPW

    for j in range(NCHUNK):
        pltpu.sync_copy(path_hbm.at[pl.ds(base + j * CHUNK, CHUNK)], idx_v.at[j])
        pltpu.sync_copy(mask_hbm.at[pl.ds(base + j * CHUNK, CHUNK)], mask_v.at[j])

    copies = []
    for j in range(NCHUNK):
        copies.append(
            pltpu.async_copy(
                table_hbm.at[idx_v.at[j]],
                rows_v.at[pl.ds(j * CHUNK, CHUNK)],
                sem,
            )
        )

    for j in range(NCHUNK):
        for k in range(CHUNK // 16):
            v = mask_v[j, pl.ds(k * 16, 16)]
            v01 = jnp.minimum(jnp.maximum(v, 0), 1)
            maskf_v[pl.ds(j * CHUNK + k * 16, 16)] = v01.astype(jnp.float32)

    for c in copies:
        c.wait()

    def mask_row(r, _):
        mf = plsc.load_gather(maskf_v, [jnp.broadcast_to(r, (16,))])
        for c in range(NODE_DIM // 16):
            sl = pl.ds(c * 16, 16)
            rows_v[r, sl] = rows_v[r, sl] * mf
        return 0

    lax.fori_loop(0, BPW, mask_row, 0)

    pltpu.sync_copy(rows_v, out_hbm.at[pl.ds(base, BPW)])


def kernel(path, mask, table):
    mesh = plsc.VectorSubcoreMesh(core_axis_name="c", subcore_axis_name="s")
    f = functools.partial(
        pl.kernel,
        mesh=mesh,
        compiler_params=pltpu.CompilerParams(
            use_tc_tiling_on_sc=False,
            needs_layout_passes=False,
        ),
        out_type=jax.ShapeDtypeStruct((PATH_LEN, NODE_DIM), jnp.float32),
        scratch_types=[
            pltpu.VMEM((NCHUNK, CHUNK), jnp.int32),
            pltpu.VMEM((NCHUNK, CHUNK), jnp.int32),
            pltpu.VMEM((BPW,), jnp.float32),
            pltpu.VMEM((BPW, NODE_DIM), jnp.float32),
            pltpu.SemaphoreType.DMA,
        ],
    )(_body)
    return f(path.astype(jnp.int32), mask, table)

# --- scband reference (transcript-rebuilt; emitter-appended) ---
"""Pipeline reference for scband-embedding-manager-64372969832802 (READ-ONLY COPY).

The authoritative reference and input builder live on the scoring server;
editing this copy changes nothing except your own understanding.
"""

import jax, jax.numpy as jnp
import numpy as np
import math

NUM_NODES = 1000000
NODE_DIM = 64
PATH_LEN = 16384

def setup_inputs(seed: int = 0) -> dict:
    key = jax.random.key(seed)
    k1, k2, k3 = jax.random.split(key, 3)
    table = jax.random.normal(k1, (NUM_NODES, NODE_DIM), dtype=jnp.float32) * (1.0 / math.sqrt(NODE_DIM))
    path = jax.random.randint(k2, (PATH_LEN,), 0, NUM_NODES, dtype=jnp.int64) if jax.config.jax_enable_x64 else jax.random.randint(k2, (PATH_LEN,), 0, NUM_NODES, dtype=jnp.int32)
    mask = jax.random.randint(k3, (PATH_LEN,), 0, 2, dtype=jnp.int32)
    return {"path": path, "mask": mask, "table": table}

def reference(path, mask, table):
    # get_path_tokens: for each position, if mask==0 emit zero padding row,
    # else gather the node embedding from the table.
    emb = jnp.take(table, path, axis=0)  # [L, node_dim] gather
    padding = jnp.zeros((NODE_DIM,), dtype=table.dtype)
    out = jnp.where((mask != 0)[:, None], emb, padding[None, :])
    return out

if __name__ == "__main__":
    import jax
    _d = setup_inputs()
    print(jax.jit(kernel)(*tuple(_d.values())))

</pallas_src>

<mosaic_0001>
#map = affine_map<(d0, d1) -> (0)>
#map1 = affine_map<(d0, d1) -> (0, 0)>
module attributes {stable_mosaic.version = 14 : i64} {
  func.func @_body(%arg0: i32, %arg1: i32, %arg2: memref<16384xi32, #tpu.memory_space<hbm>>, %arg3: memref<16384xi32, #tpu.memory_space<hbm>>, %arg4: memref<1000000x64xf32, #tpu.memory_space<hbm>>, %arg5: memref<16384x64xf32, #tpu.memory_space<hbm>>, %arg6: memref<4x128xi32, #tpu.memory_space<vmem>>, %arg7: memref<4x128xi32, #tpu.memory_space<vmem>>, %arg8: memref<512xf32, #tpu.memory_space<vmem>>, %arg9: memref<512x64xf32, #tpu.memory_space<vmem>>, %arg10: memref<!tpu.dma_semaphore, #tpu.memory_space<semaphore_mem>>) attributes {dimension_semantics = [#tpu.dimension_semantics<core_parallel>, #tpu.dimension_semantics<subcore_parallel>], iteration_bounds = array<i64: 2, 16>, scalar_prefetch = 0 : i64, scratch_operands = 5 : i64, tpu.core_type = #tpu.core_type<sc_vector_subcore>, window_params = [{transform_indices = #map}, {transform_indices = #map}, {transform_indices = #map1}, {transform_indices = #map1}]} {
    %mul3A = arith.constant 2 : i32
    %mul3A_0 = arith.muli %arg1, %mul3A : i32
    %add3A = arith.addi %mul3A_0, %arg0 : i32
    %mul3A_1 = arith.constant 512 : i32
    %mul3A_2 = arith.muli %add3A, %mul3A_1 : i32
    %add3A_3 = arith.constant 0 : i32
    %add3A_4 = arith.addi %mul3A_2, %add3A_3 : i32
    %run_scoped3A = arith.constant 0 : i32
    "tpu.region"() ({
      %run_scoped3A_521 = tpu.sem_alloc : memref<!tpu.dma_semaphore, #tpu.memory_space<semaphore_mem>>
      %dma_start3A_522 = arith.constant 0 : i32
      %dma_start3A_523 = tpu.memref_slice %arg6[%run_scoped3A, %dma_start3A_522] : memref<4x128xi32, #tpu.memory_space<vmem>> -> memref<1x128xi32, #tpu.memory_space<vmem>>
      %dma_start3A_524 = tpu.memref_squeeze %dma_start3A_523 : memref<1x128xi32, #tpu.memory_space<vmem>> -> memref<128xi32, #tpu.memory_space<vmem>>
      %dma_start3A_525 = tpu.memref_slice %arg2[%add3A_4] : memref<16384xi32, #tpu.memory_space<hbm>> -> memref<128xi32, #tpu.memory_space<hbm>>
      %dma_start3A_526 = arith.constant 0 : i32
      %dma_start3A_527 = tpu.memref_slice %arg6[%run_scoped3A, %dma_start3A_526] : memref<4x128xi32, #tpu.memory_space<vmem>> -> memref<1x128xi32, #tpu.memory_space<vmem>>
      %dma_start3A_528 = tpu.memref_squeeze %dma_start3A_527 : memref<1x128xi32, #tpu.memory_space<vmem>> -> memref<128xi32, #tpu.memory_space<vmem>>
      %dma_start3A_529 = tpu.memref_slice %arg2[%add3A_4] : memref<16384xi32, #tpu.memory_space<hbm>> -> memref<128xi32, #tpu.memory_space<hbm>>
      tpu.enqueue_dma source(%dma_start3A_529 : memref<128xi32, #tpu.memory_space<hbm>>) target(%dma_start3A_528 : memref<128xi32, #tpu.memory_space<vmem>>) target_semaphore(%run_scoped3A_521 : memref<!tpu.dma_semaphore, #tpu.memory_space<semaphore_mem>>)
      %dma_wait3A_530 = arith.constant 0 : i32
      %dma_wait3A_531 = tpu.memref_slice %arg6[%run_scoped3A, %dma_wait3A_530] : memref<4x128xi32, #tpu.memory_space<vmem>> -> memref<1x128xi32, #tpu.memory_space<vmem>>
      %dma_wait3A_532 = tpu.memref_squeeze %dma_wait3A_531 : memref<1x128xi32, #tpu.memory_space<vmem>> -> memref<128xi32, #tpu.memory_space<vmem>>
      %dma_wait3A_533 = tpu.memref_slice %arg2[%add3A_4] : memref<16384xi32, #tpu.memory_space<hbm>> -> memref<128xi32, #tpu.memory_space<hbm>>
      %dma_wait3A_534 = arith.constant 0 : i32
      %dma_wait3A_535 = tpu.memref_slice %arg6[%run_scoped3A, %dma_wait3A_534] : memref<4x128xi32, #tpu.memory_space<vmem>> -> memref<1x128xi32, #tpu.memory_space<vmem>>
      %dma_wait3A_536 = tpu.memref_squeeze %dma_wait3A_535 : memref<1x128xi32, #tpu.memory_space<vmem>> -> memref<128xi32, #tpu.memory_space<vmem>>
      %dma_wait3A_537 = tpu.memref_slice %arg2[%add3A_4] : memref<16384xi32, #tpu.memory_space<hbm>> -> memref<128xi32, #tpu.memory_space<hbm>>
      tpu.wait_dma2 semaphore(%run_scoped3A_521 : memref<!tpu.dma_semaphore, #tpu.memory_space<semaphore_mem>>) src(%dma_wait3A_537 : memref<128xi32, #tpu.memory_space<hbm>>) dst(%dma_wait3A_536 : memref<128xi32, #tpu.memory_space<vmem>>)
      tpu.yield
    }) : () -> ()
    %add3A_5 = arith.constant 0 : i32
    %add3A_6 = arith.addi %mul3A_2, %add3A_5 : i32
    %run_scoped3A_7 = arith.constant 0 : i32
    "tpu.region"() ({
      %run_scoped3A_521 = tpu.sem_alloc : memref<!tpu.dma_semaphore, #tpu.memory_space<semaphore_mem>>
      %dma_start3A_522 = arith.constant 0 : i32
      %dma_start3A_523 = tpu.memref_slice %arg7[%run_scoped3A_7, %dma_start3A_522] : memref<4x128xi32, #tpu.memory_space<vmem>> -> memref<1x128xi32, #tpu.memory_space<vmem>>
      %dma_start3A_524 = tpu.memref_squeeze %dma_start3A_523 : memref<1x128xi32, #tpu.memory_space<vmem>> -> memref<128xi32, #tpu.memory_space<vmem>>
      %dma_start3A_525 = tpu.memref_slice %arg3[%add3A_6] : memref<16384xi32, #tpu.memory_space<hbm>> -> memref<128xi32, #tpu.memory_space<hbm>>
      %dma_start3A_526 = arith.constant 0 : i32
      %dma_start3A_527 = tpu.memref_slice %arg7[%run_scoped3A_7, %dma_start3A_526] : memref<4x128xi32, #tpu.memory_space<vmem>> -> memref<1x128xi32, #tpu.memory_space<vmem>>
      %dma_start3A_528 = tpu.memref_squeeze %dma_start3A_527 : memref<1x128xi32, #tpu.memory_space<vmem>> -> memref<128xi32, #tpu.memory_space<vmem>>
      %dma_start3A_529 = tpu.memref_slice %arg3[%add3A_6] : memref<16384xi32, #tpu.memory_space<hbm>> -> memref<128xi32, #tpu.memory_space<hbm>>
      tpu.enqueue_dma source(%dma_start3A_529 : memref<128xi32, #tpu.memory_space<hbm>>) target(%dma_start3A_528 : memref<128xi32, #tpu.memory_space<vmem>>) target_semaphore(%run_scoped3A_521 : memref<!tpu.dma_semaphore, #tpu.memory_space<semaphore_mem>>)
      %dma_wait3A_530 = arith.constant 0 : i32
      %dma_wait3A_531 = tpu.memref_slice %arg7[%run_scoped3A_7, %dma_wait3A_530] : memref<4x128xi32, #tpu.memory_space<vmem>> -> memref<1x128xi32, #tpu.memory_space<vmem>>
      %dma_wait3A_532 = tpu.memref_squeeze %dma_wait3A_531 : memref<1x128xi32, #tpu.memory_space<vmem>> -> memref<128xi32, #tpu.memory_space<vmem>>
      %dma_wait3A_533 = tpu.memref_slice %arg3[%add3A_6] : memref<16384xi32, #tpu.memory_space<hbm>> -> memref<128xi32, #tpu.memory_space<hbm>>
      %dma_wait3A_534 = arith.constant 0 : i32
      %dma_wait3A_535 = tpu.memref_slice %arg7[%run_scoped3A_7, %dma_wait3A_534] : memref<4x128xi32, #tpu.memory_space<vmem>> -> memref<1x128xi32, #tpu.memory_space<vmem>>
      %dma_wait3A_536 = tpu.memref_squeeze %dma_wait3A_535 : memref<1x128xi32, #tpu.memory_space<vmem>> -> memref<128xi32, #tpu.memory_space<vmem>>
      %dma_wait3A_537 = tpu.memref_slice %arg3[%add3A_6] : memref<16384xi32, #tpu.memory_space<hbm>> -> memref<128xi32, #tpu.memory_space<hbm>>
      tpu.wait_dma2 semaphore(%run_scoped3A_521 : memref<!tpu.dma_semaphore, #tpu.memory_space<semaphore_mem>>) src(%dma_wait3A_537 : memref<128xi32, #tpu.memory_space<hbm>>) dst(%dma_wait3A_536 : memref<128xi32, #tpu.memory_space<vmem>>)
      tpu.yield
    }) : () -> ()
    %add3A_8 = arith.constant 128 : i32
    %add3A_9 = arith.addi %mul3A_2, %add3A_8 : i32
    %run_scoped3A_10 = arith.constant 1 : i32
    "tpu.region"() ({
      %run_scoped3A_521 = tpu.sem_alloc : memref<!tpu.dma_semaphore, #tpu.memory_space<semaphore_mem>>
      %dma_start3A_522 = arith.constant 0 : i32
      %dma_start3A_523 = tpu.memref_slice %arg6[%run_scoped3A_10, %dma_start3A_522] : memref<4x128xi32, #tpu.memory_space<vmem>> -> memref<1x128xi32, #tpu.memory_space<vmem>>
      %dma_start3A_524 = tpu.memref_squeeze %dma_start3A_523 : memref<1x128xi32, #tpu.memory_space<vmem>> -> memref<128xi32, #tpu.memory_space<vmem>>
      %dma_start3A_525 = tpu.memref_slice %arg2[%add3A_9] : memref<16384xi32, #tpu.memory_space<hbm>> -> memref<128xi32, #tpu.memory_space<hbm>>
      %dma_start3A_526 = arith.constant 0 : i32
      %dma_start3A_527 = tpu.memref_slice %arg6[%run_scoped3A_10, %dma_start3A_526] : memref<4x128xi32, #tpu.memory_space<vmem>> -> memref<1x128xi32, #tpu.memory_space<vmem>>
      %dma_start3A_528 = tpu.memref_squeeze %dma_start3A_527 : memref<1x128xi32, #tpu.memory_space<vmem>> -> memref<128xi32, #tpu.memory_space<vmem>>
      %dma_start3A_529 = tpu.memref_slice %arg2[%add3A_9] : memref<16384xi32, #tpu.memory_space<hbm>> -> memref<128xi32, #tpu.memory_space<hbm>>
      tpu.enqueue_dma source(%dma_start3A_529 : memref<128xi32, #tpu.memory_space<hbm>>) target(%dma_start3A_528 : memref<128xi32, #tpu.memory_space<vmem>>) target_semaphore(%run_scoped3A_521 : memref<!tpu.dma_semaphore, #tpu.memory_space<semaphore_mem>>)
      %dma_wait3A_530 = arith.constant 0 : i32
      %dma_wait3A_531 = tpu.memref_slice %arg6[%run_scoped3A_10, %dma_wait3A_530] : memref<4x128xi32, #tpu.memory_space<vmem>> -> memref<1x128xi32, #tpu.memory_space<vmem>>
      %dma_wait3A_532 = tpu.memref_squeeze %dma_wait3A_531 : memref<1x128xi32, #tpu.memory_space<vmem>> -> memref<128xi32, #tpu.memory_space<vmem>>
      %dma_wait3A_533 = tpu.memref_slice %arg2[%add3A_9] : memref<16384xi32, #tpu.memory_space<hbm>> -> memref<128xi32, #tpu.memory_space<hbm>>
      %dma_wait3A_534 = arith.constant 0 : i32
      %dma_wait3A_535 = tpu.memref_slice %arg6[%run_scoped3A_10, %dma_wait3A_534] : memref<4x128xi32, #tpu.memory_space<vmem>> -> memref<1x128xi32, #tpu.memory_space<vmem>>
      %dma_wait3A_536 = tpu.memref_squeeze %dma_wait3A_535 : memref<1x128xi32, #tpu.memory_space<vmem>> -> memref<128xi32, #tpu.memory_space<vmem>>
      %dma_wait3A_537 = tpu.memref_slice %arg2[%add3A_9] : memref<16384xi32, #tpu.memory_space<hbm>> -> memref<128xi32, #tpu.memory_space<hbm>>
      tpu.wait_dma2 semaphore(%run_scoped3A_521 : memref<!tpu.dma_semaphore, #tpu.memory_space<semaphore_mem>>) src(%dma_wait3A_537 : memref<128xi32, #tpu.memory_space<hbm>>) dst(%dma_wait3A_536 : memref<128xi32, #tpu.memory_space<vmem>>)
      tpu.yield
    }) : () -> ()
    %add3A_11 = arith.constant 128 : i32
    %add3A_12 = arith.addi %mul3A_2, %add3A_11 : i32
    %run_scoped3A_13 = arith.constant 1 : i32
    "tpu.region"() ({
      %run_scoped3A_521 = tpu.sem_alloc : memref<!tpu.dma_semaphore, #tpu.memory_space<semaphore_mem>>
      %dma_start3A_522 = arith.constant 0 : i32
      %dma_start3A_523 = tpu.memref_slice %arg7[%run_scoped3A_13, %dma_start3A_522] : memref<4x128xi32, #tpu.memory_space<vmem>> -> memref<1x128xi32, #tpu.memory_space<vmem>>
      %dma_start3A_524 = tpu.memref_squeeze %dma_start3A_523 : memref<1x128xi32, #tpu.memory_space<vmem>> -> memref<128xi32, #tpu.memory_space<vmem>>
      %dma_start3A_525 = tpu.memref_slice %arg3[%add3A_12] : memref<16384xi32, #tpu.memory_space<hbm>> -> memref<128xi32, #tpu.memory_space<hbm>>
      %dma_start3A_526 = arith.constant 0 : i32
      %dma_start3A_527 = tpu.memref_slice %arg7[%run_scoped3A_13, %dma_start3A_526] : memref<4x128xi32, #tpu.memory_space<vmem>> -> memref<1x128xi32, #tpu.memory_space<vmem>>
      %dma_start3A_528 = tpu.memref_squeeze %dma_start3A_527 : memref<1x128xi32, #tpu.memory_space<vmem>> -> memref<128xi32, #tpu.memory_space<vmem>>
      %dma_start3A_529 = tpu.memref_slice %arg3[%add3A_12] : memref<16384xi32, #tpu.memory_space<hbm>> -> memref<128xi32, #tpu.memory_space<hbm>>
      tpu.enqueue_dma source(%dma_start3A_529 : memref<128xi32, #tpu.memory_space<hbm>>) target(%dma_start3A_528 : memref<128xi32, #tpu.memory_space<vmem>>) target_semaphore(%run_scoped3A_521 : memref<!tpu.dma_semaphore, #tpu.memory_space<semaphore_mem>>)
      %dma_wait3A_530 = arith.constant 0 : i32
      %dma_wait3A_531 = tpu.memref_slice %arg7[%run_scoped3A_13, %dma_wait3A_530] : memref<4x128xi32, #tpu.memory_space<vmem>> -> memref<1x128xi32, #tpu.memory_space<vmem>>
      %dma_wait3A_532 = tpu.memref_squeeze %dma_wait3A_531 : memref<1x128xi32, #tpu.memory_space<vmem>> -> memref<128xi32, #tpu.memory_space<vmem>>
      %dma_wait3A_533 = tpu.memref_slice %arg3[%add3A_12] : memref<16384xi32, #tpu.memory_space<hbm>> -> memref<128xi32, #tpu.memory_space<hbm>>
      %dma_wait3A_534 = arith.constant 0 : i32
      %dma_wait3A_535 = tpu.memref_slice %arg7[%run_scoped3A_13, %dma_wait3A_534] : memref<4x128xi32, #tpu.memory_space<vmem>> -> memref<1x128xi32, #tpu.memory_space<vmem>>
      %dma_wait3A_536 = tpu.memref_squeeze %dma_wait3A_535 : memref<1x128xi32, #tpu.memory_space<vmem>> -> memref<128xi32, #tpu.memory_space<vmem>>
      %dma_wait3A_537 = tpu.memref_slice %arg3[%add3A_12] : memref<16384xi32, #tpu.memory_space<hbm>> -> memref<128xi32, #tpu.memory_space<hbm>>
      tpu.wait_dma2 semaphore(%run_scoped3A_521 : memref<!tpu.dma_semaphore, #tpu.memory_space<semaphore_mem>>) src(%dma_wait3A_537 : memref<128xi32, #tpu.memory_space<hbm>>) dst(%dma_wait3A_536 : memref<128xi32, #tpu.memory_space<vmem>>)
      tpu.yield
    }) : () -> ()
    %add3A_14 = arith.constant 256 : i32
    %add3A_15 = arith.addi %mul3A_2, %add3A_14 : i32
    %run_scoped3A_16 = arith.constant 2 : i32
    "tpu.region"() ({
      %run_scoped3A_521 = tpu.sem_alloc : memref<!tpu.dma_semaphore, #tpu.memory_space<semaphore_mem>>
      %dma_start3A_522 = arith.constant 0 : i32
      %dma_start3A_523 = tpu.memref_slice %arg6[%run_scoped3A_16, %dma_start3A_522] : memref<4x128xi32, #tpu.memory_space<vmem>> -> memref<1x128xi32, #tpu.memory_space<vmem>>
      %dma_start3A_524 = tpu.memref_squeeze %dma_start3A_523 : memref<1x128xi32, #tpu.memory_space<vmem>> -> memref<128xi32, #tpu.memory_space<vmem>>
      %dma_start3A_525 = tpu.memref_slice %arg2[%add3A_15] : memref<16384xi32, #tpu.memory_space<hbm>> -> memref<128xi32, #tpu.memory_space<hbm>>
      %dma_start3A_526 = arith.constant 0 : i32
      %dma_start3A_527 = tpu.memref_slice %arg6[%run_scoped3A_16, %dma_start3A_526] : memref<4x128xi32, #tpu.memory_space<vmem>> -> memref<1x128xi32, #tpu.memory_space<vmem>>
      %dma_start3A_528 = tpu.memref_squeeze %dma_start3A_527 : memref<1x128xi32, #tpu.memory_space<vmem>> -> memref<128xi32, #tpu.memory_space<vmem>>
      %dma_start3A_529 = tpu.memref_slice %arg2[%add3A_15] : memref<16384xi32, #tpu.memory_space<hbm>> -> memref<128xi32, #tpu.memory_space<hbm>>
      tpu.enqueue_dma source(%dma_start3A_529 : memref<128xi32, #tpu.memory_space<hbm>>) target(%dma_start3A_528 : memref<128xi32, #tpu.memory_space<vmem>>) target_semaphore(%run_scoped3A_521 : memref<!tpu.dma_semaphore, #tpu.memory_space<semaphore_mem>>)
      %dma_wait3A_530 = arith.constant 0 : i32
      %dma_wait3A_531 = tpu.memref_slice %arg6[%run_scoped3A_16, %dma_wait3A_530] : memref<4x128xi32, #tpu.memory_space<vmem>> -> memref<1x128xi32, #tpu.memory_space<vmem>>
      %dma_wait3A_532 = tpu.memref_squeeze %dma_wait3A_531 : memref<1x128xi32, #tpu.memory_space<vmem>> -> memref<128xi32, #tpu.memory_space<vmem>>
      %dma_wait3A_533 = tpu.memref_slice %arg2[%add3A_15] : memref<16384xi32, #tpu.memory_space<hbm>> -> memref<128xi32, #tpu.memory_space<hbm>>
      %dma_wait3A_534 = arith.constant 0 : i32
      %dma_wait3A_535 = tpu.memref_slice %arg6[%run_scoped3A_16, %dma_wait3A_534] : memref<4x128xi32, #tpu.memory_space<vmem>> -> memref<1x128xi32, #tpu.memory_space<vmem>>
      %dma_wait3A_536 = tpu.memref_squeeze %dma_wait3A_535 : memref<1x128xi32, #tpu.memory_space<vmem>> -> memref<128xi32, #tpu.memory_space<vmem>>
      %dma_wait3A_537 = tpu.memref_slice %arg2[%add3A_15] : memref<16384xi32, #tpu.memory_space<hbm>> -> memref<128xi32, #tpu.memory_space<hbm>>
      tpu.wait_dma2 semaphore(%run_scoped3A_521 : memref<!tpu.dma_semaphore, #tpu.memory_space<semaphore_mem>>) src(%dma_wait3A_537 : memref<128xi32, #tpu.memory_space<hbm>>) dst(%dma_wait3A_536 : memref<128xi32, #tpu.memory_space<vmem>>)
      tpu.yield
    }) : () -> ()
    %add3A_17 = arith.constant 256 : i32
    %add3A_18 = arith.addi %mul3A_2, %add3A_17 : i32
    %run_scoped3A_19 = arith.constant 2 : i32
    "tpu.region"() ({
      %run_scoped3A_521 = tpu.sem_alloc : memref<!tpu.dma_semaphore, #tpu.memory_space<semaphore_mem>>
      %dma_start3A_522 = arith.constant 0 : i32
      %dma_start3A_523 = tpu.memref_slice %arg7[%run_scoped3A_19, %dma_start3A_522] : memref<4x128xi32, #tpu.memory_space<vmem>> -> memref<1x128xi32, #tpu.memory_space<vmem>>
      %dma_start3A_524 = tpu.memref_squeeze %dma_start3A_523 : memref<1x128xi32, #tpu.memory_space<vmem>> -> memref<128xi32, #tpu.memory_space<vmem>>
      %dma_start3A_525 = tpu.memref_slice %arg3[%add3A_18] : memref<16384xi32, #tpu.memory_space<hbm>> -> memref<128xi32, #tpu.memory_space<hbm>>
      %dma_start3A_526 = arith.constant 0 : i32
      %dma_start3A_527 = tpu.memref_slice %arg7[%run_scoped3A_19, %dma_start3A_526] : memref<4x128xi32, #tpu.memory_space<vmem>> -> memref<1x128xi32, #tpu.memory_space<vmem>>
      %dma_start3A_528 = tpu.memref_squeeze %dma_start3A_527 : memref<1x128xi32, #tpu.memory_space<vmem>> -> memref<128xi32, #tpu.memory_space<vmem>>
      %dma_start3A_529 = tpu.memref_slice %arg3[%add3A_18] : memref<16384xi32, #tpu.memory_space<hbm>> -> memref<128xi32, #tpu.memory_space<hbm>>
      tpu.enqueue_dma source(%dma_start3A_529 : memref<128xi32, #tpu.memory_space<hbm>>) target(%dma_start3A_528 : memref<128xi32, #tpu.memory_space<vmem>>) target_semaphore(%run_scoped3A_521 : memref<!tpu.dma_semaphore, #tpu.memory_space<semaphore_mem>>)
      %dma_wait3A_530 = arith.constant 0 : i32
      %dma_wait3A_531 = tpu.memref_slice %arg7[%run_scoped3A_19, %dma_wait3A_530] : memref<4x128xi32, #tpu.memory_space<vmem>> -> memref<1x128xi32, #tpu.memory_space<vmem>>
      %dma_wait3A_532 = tpu.memref_squeeze %dma_wait3A_531 : memref<1x128xi32, #tpu.memory_space<vmem>> -> memref<128xi32, #tpu.memory_space<vmem>>
      %dma_wait3A_533 = tpu.memref_slice %arg3[%add3A_18] : memref<16384xi32, #tpu.memory_space<hbm>> -> memref<128xi32, #tpu.memory_space<hbm>>
      %dma_wait3A_534 = arith.constant 0 : i32
      %dma_wait3A_535 = tpu.memref_slice %arg7[%run_scoped3A_19, %dma_wait3A_534] : memref<4x128xi32, #tpu.memory_space<vmem>> -> memref<1x128xi32, #tpu.memory_space<vmem>>
      %dma_wait3A_536 = tpu.memref_squeeze %dma_wait3A_535 : memref<1x128xi32, #tpu.memory_space<vmem>> -> memref<128xi32, #tpu.memory_space<vmem>>
      %dma_wait3A_537 = tpu.memref_slice %arg3[%add3A_18] : memref<16384xi32, #tpu.memory_space<hbm>> -> memref<128xi32, #tpu.memory_space<hbm>>
      tpu.wait_dma2 semaphore(%run_scoped3A_521 : memref<!tpu.dma_semaphore, #tpu.memory_space<semaphore_mem>>) src(%dma_wait3A_537 : memref<128xi32, #tpu.memory_space<hbm>>) dst(%dma_wait3A_536 : memref<128xi32, #tpu.memory_space<vmem>>)
      tpu.yield
    }) : () -> ()
    %add3A_20 = arith.constant 384 : i32
    %add3A_21 = arith.addi %mul3A_2, %add3A_20 : i32
    %run_scoped3A_22 = arith.constant 3 : i32
    "tpu.region"() ({
      %run_scoped3A_521 = tpu.sem_alloc : memref<!tpu.dma_semaphore, #tpu.memory_space<semaphore_mem>>
      %dma_start3A_522 = arith.constant 0 : i32
      %dma_start3A_523 = tpu.memref_slice %arg6[%run_scoped3A_22, %dma_start3A_522] : memref<4x128xi32, #tpu.memory_space<vmem>> -> memref<1x128xi32, #tpu.memory_space<vmem>>
      %dma_start3A_524 = tpu.memref_squeeze %dma_start3A_523 : memref<1x128xi32, #tpu.memory_space<vmem>> -> memref<128xi32, #tpu.memory_space<vmem>>
      %dma_start3A_525 = tpu.memref_slice %arg2[%add3A_21] : memref<16384xi32, #tpu.memory_space<hbm>> -> memref<128xi32, #tpu.memory_space<hbm>>
      %dma_start3A_526 = arith.constant 0 : i32
      %dma_start3A_527 = tpu.memref_slice %arg6[%run_scoped3A_22, %dma_start3A_526] : memref<4x128xi32, #tpu.memory_space<vmem>> -> memref<1x128xi32, #tpu.memory_space<vmem>>
      %dma_start3A_528 = tpu.memref_squeeze %dma_start3A_527 : memref<1x128xi32, #tpu.memory_space<vmem>> -> memref<128xi32, #tpu.memory_space<vmem>>
      %dma_start3A_529 = tpu.memref_slice %arg2[%add3A_21] : memref<16384xi32, #tpu.memory_space<hbm>> -> memref<128xi32, #tpu.memory_space<hbm>>
      tpu.enqueue_dma source(%dma_start3A_529 : memref<128xi32, #tpu.memory_space<hbm>>) target(%dma_start3A_528 : memref<128xi32, #tpu.memory_space<vmem>>) target_semaphore(%run_scoped3A_521 : memref<!tpu.dma_semaphore, #tpu.memory_space<semaphore_mem>>)
      %dma_wait3A_530 = arith.constant 0 : i32
      %dma_wait3A_531 = tpu.memref_slice %arg6[%run_scoped3A_22, %dma_wait3A_530] : memref<4x128xi32, #tpu.memory_space<vmem>> -> memref<1x128xi32, #tpu.memory_space<vmem>>
      %dma_wait3A_532 = tpu.memref_squeeze %dma_wait3A_531 : memref<1x128xi32, #tpu.memory_space<vmem>> -> memref<128xi32, #tpu.memory_space<vmem>>
      %dma_wait3A_533 = tpu.memref_slice %arg2[%add3A_21] : memref<16384xi32, #tpu.memory_space<hbm>> -> memref<128xi32, #tpu.memory_space<hbm>>
      %dma_wait3A_534 = arith.constant 0 : i32
      %dma_wait3A_535 = tpu.memref_slice %arg6[%run_scoped3A_22, %dma_wait3A_534] : memref<4x128xi32, #tpu.memory_space<vmem>> -> memref<1x128xi32, #tpu.memory_space<vmem>>
      %dma_wait3A_536 = tpu.memref_squeeze %dma_wait3A_535 : memref<1x128xi32, #tpu.memory_space<vmem>> -> memref<128xi32, #tpu.memory_space<vmem>>
      %dma_wait3A_537 = tpu.memref_slice %arg2[%add3A_21] : memref<16384xi32, #tpu.memory_space<hbm>> -> memref<128xi32, #tpu.memory_space<hbm>>
      tpu.wait_dma2 semaphore(%run_scoped3A_521 : memref<!tpu.dma_semaphore, #tpu.memory_space<semaphore_mem>>) src(%dma_wait3A_537 : memref<128xi32, #tpu.memory_space<hbm>>) dst(%dma_wait3A_536 : memref<128xi32, #tpu.memory_space<vmem>>)
      tpu.yield
    }) : () -> ()
    %add3A_23 = arith.constant 384 : i32
    %add3A_24 = arith.addi %mul3A_2, %add3A_23 : i32
    %run_scoped3A_25 = arith.constant 3 : i32
    "tpu.region"() ({
      %run_scoped3A_521 = tpu.sem_alloc : memref<!tpu.dma_semaphore, #tpu.memory_space<semaphore_mem>>
      %dma_start3A_522 = arith.constant 0 : i32
      %dma_start3A_523 = tpu.memref_slice %arg7[%run_scoped3A_25, %dma_start3A_522] : memref<4x128xi32, #tpu.memory_space<vmem>> -> memref<1x128xi32, #tpu.memory_space<vmem>>
      %dma_start3A_524 = tpu.memref_squeeze %dma_start3A_523 : memref<1x128xi32, #tpu.memory_space<vmem>> -> memref<128xi32, #tpu.memory_space<vmem>>
      %dma_start3A_525 = tpu.memref_slice %arg3[%add3A_24] : memref<16384xi32, #tpu.memory_space<hbm>> -> memref<128xi32, #tpu.memory_space<hbm>>
      %dma_start3A_526 = arith.constant 0 : i32
      %dma_start3A_527 = tpu.memref_slice %arg7[%run_scoped3A_25, %dma_start3A_526] : memref<4x128xi32, #tpu.memory_space<vmem>> -> memref<1x128xi32, #tpu.memory_space<vmem>>
      %dma_start3A_528 = tpu.memref_squeeze %dma_start3A_527 : memref<1x128xi32, #tpu.memory_space<vmem>> -> memref<128xi32, #tpu.memory_space<vmem>>
      %dma_start3A_529 = tpu.memref_slice %arg3[%add3A_24] : memref<16384xi32, #tpu.memory_space<hbm>> -> memref<128xi32, #tpu.memory_space<hbm>>
      tpu.enqueue_dma source(%dma_start3A_529 : memref<128xi32, #tpu.memory_space<hbm>>) target(%dma_start3A_528 : memref<128xi32, #tpu.memory_space<vmem>>) target_semaphore(%run_scoped3A_521 : memref<!tpu.dma_semaphore, #tpu.memory_space<semaphore_mem>>)
      %dma_wait3A_530 = arith.constant 0 : i32
      %dma_wait3A_531 = tpu.memref_slice %arg7[%run_scoped3A_25, %dma_wait3A_530] : memref<4x128xi32, #tpu.memory_space<vmem>> -> memref<1x128xi32, #tpu.memory_space<vmem>>
      %dma_wait3A_532 = tpu.memref_squeeze %dma_wait3A_531 : memref<1x128xi32, #tpu.memory_space<vmem>> -> memref<128xi32, #tpu.memory_space<vmem>>
      %dma_wait3A_533 = tpu.memref_slice %arg3[%add3A_24] : memref<16384xi32, #tpu.memory_space<hbm>> -> memref<128xi32, #tpu.memory_space<hbm>>
      %dma_wait3A_534 = arith.constant 0 : i32
      %dma_wait3A_535 = tpu.memref_slice %arg7[%run_scoped3A_25, %dma_wait3A_534] : memref<4x128xi32, #tpu.memory_space<vmem>> -> memref<1x128xi32, #tpu.memory_space<vmem>>
      %dma_wait3A_536 = tpu.memref_squeeze %dma_wait3A_535 : memref<1x128xi32, #tpu.memory_space<vmem>> -> memref<128xi32, #tpu.memory_space<vmem>>
      %dma_wait3A_537 = tpu.memref_slice %arg3[%add3A_24] : memref<16384xi32, #tpu.memory_space<hbm>> -> memref<128xi32, #tpu.memory_space<hbm>>
      tpu.wait_dma2 semaphore(%run_scoped3A_521 : memref<!tpu.dma_semaphore, #tpu.memory_space<semaphore_mem>>) src(%dma_wait3A_537 : memref<128xi32, #tpu.memory_space<hbm>>) dst(%dma_wait3A_536 : memref<128xi32, #tpu.memory_space<vmem>>)
      tpu.yield
    }) : () -> ()
    %dma_start3A = arith.constant 0 : i32
    %dma_start3A_26 = arith.constant 0 : i32
    %dma_start3A_27 = arith.constant 0 : i32
    %dma_start3A_28 = tpu.memref_slice %arg9[%dma_start3A_26, %dma_start3A_27] : memref<512x64xf32, #tpu.memory_space<vmem>> -> memref<128x64xf32, #tpu.memory_space<vmem>>
    %dma_start3A_29 = arith.constant 0 : i32
    %dma_start3A_30 = tpu.memref_slice %arg6[%dma_start3A, %dma_start3A_29] : memref<4x128xi32, #tpu.memory_space<vmem>> -> memref<1x128xi32, #tpu.memory_space<vmem>>
    %dma_start3A_31 = tpu.memref_squeeze %dma_start3A_30 : memref<1x128xi32, #tpu.memory_space<vmem>> -> memref<128xi32, #tpu.memory_space<vmem>>
    %dma_start3A_32 = arith.constant 0 : i32
    %dma_start3A_33 = arith.constant 0 : i32
    %dma_start3A_34 = tpu.memref_slice %arg4[%dma_start3A_32, %dma_start3A_33] : memref<1000000x64xf32, #tpu.memory_space<hbm>> -> memref<1000000x64xf32, #tpu.memory_space<hbm>>
    tpu.enqueue_indirect_dma source(%dma_start3A_34 : memref<1000000x64xf32, #tpu.memory_space<hbm>>) target(%dma_start3A_28 : memref<128x64xf32, #tpu.memory_space<vmem>>) offsets(%dma_start3A_31 : memref<128xi32, #tpu.memory_space<vmem>>) semaphore(%arg10 : memref<!tpu.dma_semaphore, #tpu.memory_space<semaphore_mem>>)
    %dma_start3A_35 = arith.constant 1 : i32
    %dma_start3A_36 = arith.constant 128 : i32
    %dma_start3A_37 = arith.constant 0 : i32
    %dma_start3A_38 = tpu.memref_slice %arg9[%dma_start3A_36, %dma_start3A_37] : memref<512x64xf32, #tpu.memory_space<vmem>> -> memref<128x64xf32, #tpu.memory_space<vmem>>
    %dma_start3A_39 = arith.constant 0 : i32
    %dma_start3A_40 = tpu.memref_slice %arg6[%dma_start3A_35, %dma_start3A_39] : memref<4x128xi32, #tpu.memory_space<vmem>> -> memref<1x128xi32, #tpu.memory_space<vmem>>
    %dma_start3A_41 = tpu.memref_squeeze %dma_start3A_40 : memref<1x128xi32, #tpu.memory_space<vmem>> -> memref<128xi32, #tpu.memory_space<vmem>>
    %dma_start3A_42 = arith.constant 0 : i32
    %dma_start3A_43 = arith.constant 0 : i32
    %dma_start3A_44 = tpu.memref_slice %arg4[%dma_start3A_42, %dma_start3A_43] : memref<1000000x64xf32, #tpu.memory_space<hbm>> -> memref<1000000x64xf32, #tpu.memory_space<hbm>>
    tpu.enqueue_indirect_dma source(%dma_start3A_44 : memref<1000000x64xf32, #tpu.memory_space<hbm>>) target(%dma_start3A_38 : memref<128x64xf32, #tpu.memory_space<vmem>>) offsets(%dma_start3A_41 : memref<128xi32, #tpu.memory_space<vmem>>) semaphore(%arg10 : memref<!tpu.dma_semaphore, #tpu.memory_space<semaphore_mem>>)
    %dma_start3A_45 = arith.constant 2 : i32
    %dma_start3A_46 = arith.constant 256 : i32
    %dma_start3A_47 = arith.constant 0 : i32
    %dma_start3A_48 = tpu.memref_slice %arg9[%dma_start3A_46, %dma_start3A_47] : memref<512x64xf32, #tpu.memory_space<vmem>> -> memref<128x64xf32, #tpu.memory_space<vmem>>
    %dma_start3A_49 = arith.constant 0 : i32
    %dma_start3A_50 = tpu.memref_slice %arg6[%dma_start3A_45, %dma_start3A_49] : memref<4x128xi32, #tpu.memory_space<vmem>> -> memref<1x128xi32, #tpu.memory_space<vmem>>
    %dma_start3A_51 = tpu.memref_squeeze %dma_start3A_50 : memref<1x128xi32, #tpu.memory_space<vmem>> -> memref<128xi32, #tpu.memory_space<vmem>>
    %dma_start3A_52 = arith.constant 0 : i32
    %dma_start3A_53 = arith.constant 0 : i32
    %dma_start3A_54 = tpu.memref_slice %arg4[%dma_start3A_52, %dma_start3A_53] : memref<1000000x64xf32, #tpu.memory_space<hbm>> -> memref<1000000x64xf32, #tpu.memory_space<hbm>>
    tpu.enqueue_indirect_dma source(%dma_start3A_54 : memref<1000000x64xf32, #tpu.memory_space<hbm>>) target(%dma_start3A_48 : memref<128x64xf32, #tpu.memory_space<vmem>>) offsets(%dma_start3A_51 : memref<128xi32, #tpu.memory_space<vmem>>) semaphore(%arg10 : memref<!tpu.dma_semaphore, #tpu.memory_space<semaphore_mem>>)
    %dma_start3A_55 = arith.constant 3 : i32
    %dma_start3A_56 = arith.constant 384 : i32
    %dma_start3A_57 = arith.constant 0 : i32
    %dma_start3A_58 = tpu.memref_slice %arg9[%dma_start3A_56, %dma_start3A_57] : memref<512x64xf32, #tpu.memory_space<vmem>> -> memref<128x64xf32, #tpu.memory_space<vmem>>
    %dma_start3A_59 = arith.constant 0 : i32
    %dma_start3A_60 = tpu.memref_slice %arg6[%dma_start3A_55, %dma_start3A_59] : memref<4x128xi32, #tpu.memory_space<vmem>> -> memref<1x128xi32, #tpu.memory_space<vmem>>
    %dma_start3A_61 = tpu.memref_squeeze %dma_start3A_60 : memref<1x128xi32, #tpu.memory_space<vmem>> -> memref<128xi32, #tpu.memory_space<vmem>>
    %dma_start3A_62 = arith.constant 0 : i32
    %dma_start3A_63 = arith.constant 0 : i32
    %dma_start3A_64 = tpu.memref_slice %arg4[%dma_start3A_62, %dma_start3A_63] : memref<1000000x64xf32, #tpu.memory_space<hbm>> -> memref<1000000x64xf32, #tpu.memory_space<hbm>>
    tpu.enqueue_indirect_dma source(%dma_start3A_64 : memref<1000000x64xf32, #tpu.memory_space<hbm>>) target(%dma_start3A_58 : memref<128x64xf32, #tpu.memory_space<vmem>>) offsets(%dma_start3A_61 : memref<128xi32, #tpu.memory_space<vmem>>) semaphore(%arg10 : memref<!tpu.dma_semaphore, #tpu.memory_space<semaphore_mem>>)
    %get3A = arith.constant 0 : i32
    %get3A_65 = arith.index_cast %get3A : i32 to index
    %get3A_66 = arith.constant 0 : index
    %get3A_67 = tpu.vector_load %arg7[%get3A_65, %get3A_66] {strides = array<i32>} : memref<4x128xi32, #tpu.memory_space<vmem>>, vector<16xi32>,
    %max3A = arith.constant 0 : i32
    %max3A_68 = vector.broadcast %max3A : i32 to vector<16xi32>
    %max3A_69 = arith.maxsi %get3A_67, %max3A_68 : vector<16xi32>
    %min3A = arith.constant 1 : i32
    %min3A_70 = vector.broadcast %min3A : i32 to vector<16xi32>
    %min3A_71 = arith.minsi %max3A_69, %min3A_70 : vector<16xi32>
    %convert_element_type3A = arith.sitofp %min3A_71 : vector<16xi32> to vector<16xf32>
    %swap3A = arith.constant 0 : index
    %swap3A_72 = tpu.vector_load %arg8[%swap3A] {strides = array<i32>} : memref<512xf32, #tpu.memory_space<vmem>>, vector<16xf32>,
    tpu.vector_store %arg8[%swap3A], %convert_element_type3A {strides = array<i32>} : memref<512xf32, #tpu.memory_space<vmem>>, vector<16xf32>,
    %get3A_73 = arith.constant 0 : i32
    %get3A_74 = arith.index_cast %get3A_73 : i32 to index
    %get3A_75 = arith.constant 16 : index
    %get3A_76 = tpu.vector_load %arg7[%get3A_74, %get3A_75] {strides = array<i32>} : memref<4x128xi32, #tpu.memory_space<vmem>>, vector<16xi32>,
    %max3A_77 = arith.constant 0 : i32
    %max3A_78 = vector.broadcast %max3A_77 : i32 to vector<16xi32>
    %max3A_79 = arith.maxsi %get3A_76, %max3A_78 : vector<16xi32>
    %min3A_80 = arith.constant 1 : i32
    %min3A_81 = vector.broadcast %min3A_80 : i32 to vector<16xi32>
    %min3A_82 = arith.minsi %max3A_79, %min3A_81 : vector<16xi32>
    %convert_element_type3A_83 = arith.sitofp %min3A_82 : vector<16xi32> to vector<16xf32>
    %swap3A_84 = arith.constant 16 : index
    %swap3A_85 = tpu.vector_load %arg8[%swap3A_84] {strides = array<i32>} : memref<512xf32, #tpu.memory_space<vmem>>, vector<16xf32>,
    tpu.vector_store %arg8[%swap3A_84], %convert_element_type3A_83 {strides = array<i32>} : memref<512xf32, #tpu.memory_space<vmem>>, vector<16xf32>,
    %get3A_86 = arith.constant 0 : i32
    %get3A_87 = arith.index_cast %get3A_86 : i32 to index
    %get3A_88 = arith.constant 32 : index
    %get3A_89 = tpu.vector_load %arg7[%get3A_87, %get3A_88] {strides = array<i32>} : memref<4x128xi32, #tpu.memory_space<vmem>>, vector<16xi32>,
    %max3A_90 = arith.constant 0 : i32
    %max3A_91 = vector.broadcast %max3A_90 : i32 to vector<16xi32>
    %max3A_92 = arith.maxsi %get3A_89, %max3A_91 : vector<16xi32>
    %min3A_93 = arith.constant 1 : i32
    %min3A_94 = vector.broadcast %min3A_93 : i32 to vector<16xi32>
    %min3A_95 = arith.minsi %max3A_92, %min3A_94 : vector<16xi32>
    %convert_element_type3A_96 = arith.sitofp %min3A_95 : vector<16xi32> to vector<16xf32>
    %swap3A_97 = arith.constant 32 : index
    %swap3A_98 = tpu.vector_load %arg8[%swap3A_97] {strides = array<i32>} : memref<512xf32, #tpu.memory_space<vmem>>, vector<16xf32>,
    tpu.vector_store %arg8[%swap3A_97], %convert_element_type3A_96 {strides = array<i32>} : memref<512xf32, #tpu.memory_space<vmem>>, vector<16xf32>,
    %get3A_99 = arith.constant 0 : i32
    %get3A_100 = arith.index_cast %get3A_99 : i32 to index
    %get3A_101 = arith.constant 48 : index
    %get3A_102 = tpu.vector_load %arg7[%get3A_100, %get3A_101] {strides = array<i32>} : memref<4x128xi32, #tpu.memory_space<vmem>>, vector<16xi32>,
    %max3A_103 = arith.constant 0 : i32
    %max3A_104 = vector.broadcast %max3A_103 : i32 to vector<16xi32>
    %max3A_105 = arith.maxsi %get3A_102, %max3A_104 : vector<16xi32>
    %min3A_106 = arith.constant 1 : i32
    %min3A_107 = vector.broadcast %min3A_106 : i32 to vector<16xi32>
    %min3A_108 = arith.minsi %max3A_105, %min3A_107 : vector<16xi32>
    %convert_element_type3A_109 = arith.sitofp %min3A_108 : vector<16xi32> to vector<16xf32>
    %swap3A_110 = arith.constant 48 : index
    %swap3A_111 = tpu.vector_load %arg8[%swap3A_110] {strides = array<i32>} : memref<512xf32, #tpu.memory_space<vmem>>, vector<16xf32>,
    tpu.vector_store %arg8[%swap3A_110], %convert_element_type3A_109 {strides = array<i32>} : memref<512xf32, #tpu.memory_space<vmem>>, vector<16xf32>,
    %get3A_112 = arith.constant 0 : i32
    %get3A_113 = arith.index_cast %get3A_112 : i32 to index
    %get3A_114 = arith.constant 64 : index
    %get3A_115 = tpu.vector_load %arg7[%get3A_113, %get3A_114] {strides = array<i32>} : memref<4x128xi32, #tpu.memory_space<vmem>>, vector<16xi32>,
    %max3A_116 = arith.constant 0 : i32
    %max3A_117 = vector.broadcast %max3A_116 : i32 to vector<16xi32>
    %max3A_118 = arith.maxsi %get3A_115, %max3A_117 : vector<16xi32>
    %min3A_119 = arith.constant 1 : i32
    %min3A_120 = vector.broadcast %min3A_119 : i32 to vector<16xi32>
    %min3A_121 = arith.minsi %max3A_118, %min3A_120 : vector<16xi32>
    %convert_element_type3A_122 = arith.sitofp %min3A_121 : vector<16xi32> to vector<16xf32>
    %swap3A_123 = arith.constant 64 : index
    %swap3A_124 = tpu.vector_load %arg8[%swap3A_123] {strides = array<i32>} : memref<512xf32, #tpu.memory_space<vmem>>, vector<16xf32>,
    tpu.vector_store %arg8[%swap3A_123], %convert_element_type3A_122 {strides = array<i32>} : memref<512xf32, #tpu.memory_space<vmem>>, vector<16xf32>,
    %get3A_125 = arith.constant 0 : i32
    %get3A_126 = arith.index_cast %get3A_125 : i32 to index
    %get3A_127 = arith.constant 80 : index
    %get3A_128 = tpu.vector_load %arg7[%get3A_126, %get3A_127] {strides = array<i32>} : memref<4x128xi32, #tpu.memory_space<vmem>>, vector<16xi32>,
    %max3A_129 = arith.constant 0 : i32
    %max3A_130 = vector.broadcast %max3A_129 : i32 to vector<16xi32>
    %max3A_131 = arith.maxsi %get3A_128, %max3A_130 : vector<16xi32>
    %min3A_132 = arith.constant 1 : i32
    %min3A_133 = vector.broadcast %min3A_132 : i32 to vector<16xi32>
    %min3A_134 = arith.minsi %max3A_131, %min3A_133 : vector<16xi32>
    %convert_element_type3A_135 = arith.sitofp %min3A_134 : vector<16xi32> to vector<16xf32>
    %swap3A_136 = arith.constant 80 : index
    %swap3A_137 = tpu.vector_load %arg8[%swap3A_136] {strides = array<i32>} : memref<512xf32, #tpu.memory_space<vmem>>, vector<16xf32>,
    tpu.vector_store %arg8[%swap3A_136], %convert_element_type3A_135 {strides = array<i32>} : memref<512xf32, #tpu.memory_space<vmem>>, vector<16xf32>,
    %get3A_138 = arith.constant 0 : i32
    %get3A_139 = arith.index_cast %get3A_138 : i32 to index
    %get3A_140 = arith.constant 96 : index
    %get3A_141 = tpu.vector_load %arg7[%get3A_139, %get3A_140] {strides = array<i32>} : memref<4x128xi32, #tpu.memory_space<vmem>>, vector<16xi32>,
    %max3A_142 = arith.constant 0 : i32
    %max3A_143 = vector.broadcast %max3A_142 : i32 to vector<16xi32>
    %max3A_144 = arith.maxsi %get3A_141, %max3A_143 : vector<16xi32>
    %min3A_145 = arith.constant 1 : i32
    %min3A_146 = vector.broadcast %min3A_145 : i32 to vector<16xi32>
    %min3A_147 = arith.minsi %max3A_144, %min3A_146 : vector<16xi32>
    %convert_element_type3A_148 = arith.sitofp %min3A_147 : vector<16xi32> to vector<16xf32>
    %swap3A_149 = arith.constant 96 : index
    %swap3A_150 = tpu.vector_load %arg8[%swap3A_149] {strides = array<i32>} : memref<512xf32, #tpu.memory_space<vmem>>, vector<16xf32>,
    tpu.vector_store %arg8[%swap3A_149], %convert_element_type3A_148 {strides = array<i32>} : memref<512xf32, #tpu.memory_space<vmem>>, vector<16xf32>,
    %get3A_151 = arith.constant 0 : i32
    %get3A_152 = arith.index_cast %get3A_151 : i32 to index
    %get3A_153 = arith.constant 112 : index
    %get3A_154 = tpu.vector_load %arg7[%get3A_152, %get3A_153] {strides = array<i32>} : memref<4x128xi32, #tpu.memory_space<vmem>>, vector<16xi32>,
    %max3A_155 = arith.constant 0 : i32
    %max3A_156 = vector.broadcast %max3A_155 : i32 to vector<16xi32>
    %max3A_157 = arith.maxsi %get3A_154, %max3A_156 : vector<16xi32>
    %min3A_158 = arith.constant 1 : i32
    %min3A_159 = vector.broadcast %min3A_158 : i32 to vector<16xi32>
    %min3A_160 = arith.minsi %max3A_157, %min3A_159 : vector<16xi32>
    %convert_element_type3A_161 = arith.sitofp %min3A_160 : vector<16xi32> to vector<16xf32>
    %swap3A_162 = arith.constant 112 : index
    %swap3A_163 = tpu.vector_load %arg8[%swap3A_162] {strides = array<i32>} : memref<512xf32, #tpu.memory_space<vmem>>, vector<16xf32>,
    tpu.vector_store %arg8[%swap3A_162], %convert_element_type3A_161 {strides = array<i32>} : memref<512xf32, #tpu.memory_space<vmem>>, vector<16xf32>,
    %get3A_164 = arith.constant 1 : i32
    %get3A_165 = arith.index_cast %get3A_164 : i32 to index
    %get3A_166 = arith.constant 0 : index
    %get3A_167 = tpu.vector_load %arg7[%get3A_165, %get3A_166] {strides = array<i32>} : memref<4x128xi32, #tpu.memory_space<vmem>>, vector<16xi32>,
    %max3A_168 = arith.constant 0 : i32
    %max3A_169 = vector.broadcast %max3A_168 : i32 to vector<16xi32>
    %max3A_170 = arith.maxsi %get3A_167, %max3A_169 : vector<16xi32>
    %min3A_171 = arith.constant 1 : i32
    %min3A_172 = vector.broadcast %min3A_171 : i32 to vector<16xi32>
    %min3A_173 = arith.minsi %max3A_170, %min3A_172 : vector<16xi32>
    %convert_element_type3A_174 = arith.sitofp %min3A_173 : vector<16xi32> to vector<16xf32>
    %swap3A_175 = arith.constant 128 : index
    %swap3A_176 = tpu.vector_load %arg8[%swap3A_175] {strides = array<i32>} : memref<512xf32, #tpu.memory_space<vmem>>, vector<16xf32>,
    tpu.vector_store %arg8[%swap3A_175], %convert_element_type3A_174 {strides = array<i32>} : memref<512xf32, #tpu.memory_space<vmem>>, vector<16xf32>,
    %get3A_177 = arith.constant 1 : i32
    %get3A_178 = arith.index_cast %get3A_177 : i32 to index
    %get3A_179 = arith.constant 16 : index
    %get3A_180 = tpu.vector_load %arg7[%get3A_178, %get3A_179] {strides = array<i32>} : memref<4x128xi32, #tpu.memory_space<vmem>>, vector<16xi32>,
    %max3A_181 = arith.constant 0 : i32
    %max3A_182 = vector.broadcast %max3A_181 : i32 to vector<16xi32>
    %max3A_183 = arith.maxsi %get3A_180, %max3A_182 : vector<16xi32>
    %min3A_184 = arith.constant 1 : i32
    %min3A_185 = vector.broadcast %min3A_184 : i32 to vector<16xi32>
    %min3A_186 = arith.minsi %max3A_183, %min3A_185 : vector<16xi32>
    %convert_element_type3A_187 = arith.sitofp %min3A_186 : vector<16xi32> to vector<16xf32>
    %swap3A_188 = arith.constant 144 : index
    %swap3A_189 = tpu.vector_load %arg8[%swap3A_188] {strides = array<i32>} : memref<512xf32, #tpu.memory_space<vmem>>, vector<16xf32>,
    tpu.vector_store %arg8[%swap3A_188], %convert_element_type3A_187 {strides = array<i32>} : memref<512xf32, #tpu.memory_space<vmem>>, vector<16xf32>,
    %get3A_190 = arith.constant 1 : i32
    %get3A_191 = arith.index_cast %get3A_190 : i32 to index
    %get3A_192 = arith.constant 32 : index
    %get3A_193 = tpu.vector_load %arg7[%get3A_191, %get3A_192] {strides = array<i32>} : memref<4x128xi32, #tpu.memory_space<vmem>>, vector<16xi32>,
    %max3A_194 = arith.constant 0 : i32
    %max3A_195 = vector.broadcast %max3A_194 : i32 to vector<16xi32>
    %max3A_196 = arith.maxsi %get3A_193, %max3A_195 : vector<16xi32>
    %min3A_197 = arith.constant 1 : i32
    %min3A_198 = vector.broadcast %min3A_197 : i32 to vector<16xi32>
    %min3A_199 = arith.minsi %max3A_196, %min3A_198 : vector<16xi32>
    %convert_element_type3A_200 = arith.sitofp %min3A_199 : vector<16xi32> to vector<16xf32>
    %swap3A_201 = arith.constant 160 : index
    %swap3A_202 = tpu.vector_load %arg8[%swap3A_201] {strides = array<i32>} : memref<512xf32, #tpu.memory_space<vmem>>, vector<16xf32>,
    tpu.vector_store %arg8[%swap3A_201], %convert_element_type3A_200 {strides = array<i32>} : memref<512xf32, #tpu.memory_space<vmem>>, vector<16xf32>,
    %get3A_203 = arith.constant 1 : i32
    %get3A_204 = arith.index_cast %get3A_203 : i32 to index
    %get3A_205 = arith.constant 48 : index
    %get3A_206 = tpu.vector_load %arg7[%get3A_204, %get3A_205] {strides = array<i32>} : memref<4x128xi32, #tpu.memory_space<vmem>>, vector<16xi32>,
    %max3A_207 = arith.constant 0 : i32
    %max3A_208 = vector.broadcast %max3A_207 : i32 to vector<16xi32>
    %max3A_209 = arith.maxsi %get3A_206, %max3A_208 : vector<16xi32>
    %min3A_210 = arith.constant 1 : i32
    %min3A_211 = vector.broadcast %min3A_210 : i32 to vector<16xi32>
    %min3A_212 = arith.minsi %max3A_209, %min3A_211 : vector<16xi32>
    %convert_element_type3A_213 = arith.sitofp %min3A_212 : vector<16xi32> to vector<16xf32>
    %swap3A_214 = arith.constant 176 : index
    %swap3A_215 = tpu.vector_load %arg8[%swap3A_214] {strides = array<i32>} : memref<512xf32, #tpu.memory_space<vmem>>, vector<16xf32>,
    tpu.vector_store %arg8[%swap3A_214], %convert_element_type3A_213 {strides = array<i32>} : memref<512xf32, #tpu.memory_space<vmem>>, vector<16xf32>,
    %get3A_216 = arith.constant 1 : i32
    %get3A_217 = arith.index_cast %get3A_216 : i32 to index
    %get3A_218 = arith.constant 64 : index
    %get3A_219 = tpu.vector_load %arg7[%get3A_217, %get3A_218] {strides = array<i32>} : memref<4x128xi32, #tpu.memory_space<vmem>>, vector<16xi32>,
    %max3A_220 = arith.constant 0 : i32
    %max3A_221 = vector.broadcast %max3A_220 : i32 to vector<16xi32>
    %max3A_222 = arith.maxsi %get3A_219, %max3A_221 : vector<16xi32>
    %min3A_223 = arith.constant 1 : i32
    %min3A_224 = vector.broadcast %min3A_223 : i32 to vector<16xi32>
    %min3A_225 = arith.minsi %max3A_222, %min3A_224 : vector<16xi32>
    %convert_element_type3A_226 = arith.sitofp %min3A_225 : vector<16xi32> to vector<16xf32>
    %swap3A_227 = arith.constant 192 : index
    %swap3A_228 = tpu.vector_load %arg8[%swap3A_227] {strides = array<i32>} : memref<512xf32, #tpu.memory_space<vmem>>, vector<16xf32>,
    tpu.vector_store %arg8[%swap3A_227], %convert_element_type3A_226 {strides = array<i32>} : memref<512xf32, #tpu.memory_space<vmem>>, vector<16xf32>,
    %get3A_229 = arith.constant 1 : i32
    %get3A_230 = arith.index_cast %get3A_229 : i32 to index
    %get3A_231 = arith.constant 80 : index
    %get3A_232 = tpu.vector_load %arg7[%get3A_230, %get3A_231] {strides = array<i32>} : memref<4x128xi32, #tpu.memory_space<vmem>>, vector<16xi32>,
    %max3A_233 = arith.constant 0 : i32
    %max3A_234 = vector.broadcast %max3A_233 : i32 to vector<16xi32>
    %max3A_235 = arith.maxsi %get3A_232, %max3A_234 : vector<16xi32>
    %min3A_236 = arith.constant 1 : i32
    %min3A_237 = vector.broadcast %min3A_236 : i32 to vector<16xi32>
    %min3A_238 = arith.minsi %max3A_235, %min3A_237 : vector<16xi32>
    %convert_element_type3A_239 = arith.sitofp %min3A_238 : vector<16xi32> to vector<16xf32>
    %swap3A_240 = arith.constant 208 : index
    %swap3A_241 = tpu.vector_load %arg8[%swap3A_240] {strides = array<i32>} : memref<512xf32, #tpu.memory_space<vmem>>, vector<16xf32>,
    tpu.vector_store %arg8[%swap3A_240], %convert_element_type3A_239 {strides = array<i32>} : memref<512xf32, #tpu.memory_space<vmem>>, vector<16xf32>,
    %get3A_242 = arith.constant 1 : i32
    %get3A_243 = arith.index_cast %get3A_242 : i32 to index
    %get3A_244 = arith.constant 96 : index
    %get3A_245 = tpu.vector_load %arg7[%get3A_243, %get3A_244] {strides = array<i32>} : memref<4x128xi32, #tpu.memory_space<vmem>>, vector<16xi32>,
    %max3A_246 = arith.constant 0 : i32
    %max3A_247 = vector.broadcast %max3A_246 : i32 to vector<16xi32>
    %max3A_248 = arith.maxsi %get3A_245, %max3A_247 : vector<16xi32>
    %min3A_249 = arith.constant 1 : i32
    %min3A_250 = vector.broadcast %min3A_249 : i32 to vector<16xi32>
    %min3A_251 = arith.minsi %max3A_248, %min3A_250 : vector<16xi32>
    %convert_element_type3A_252 = arith.sitofp %min3A_251 : vector<16xi32> to vector<16xf32>
    %swap3A_253 = arith.constant 224 : index
    %swap3A_254 = tpu.vector_load %arg8[%swap3A_253] {strides = array<i32>} : memref<512xf32, #tpu.memory_space<vmem>>, vector<16xf32>,
    tpu.vector_store %arg8[%swap3A_253], %convert_element_type3A_252 {strides = array<i32>} : memref<512xf32, #tpu.memory_space<vmem>>, vector<16xf32>,
    %get3A_255 = arith.constant 1 : i32
    %get3A_256 = arith.index_cast %get3A_255 : i32 to index
    %get3A_257 = arith.constant 112 : index
    %get3A_258 = tpu.vector_load %arg7[%get3A_256, %get3A_257] {strides = array<i32>} : memref<4x128xi32, #tpu.memory_space<vmem>>, vector<16xi32>,
    %max3A_259 = arith.constant 0 : i32
    %max3A_260 = vector.broadcast %max3A_259 : i32 to vector<16xi32>
    %max3A_261 = arith.maxsi %get3A_258, %max3A_260 : vector<16xi32>
    %min3A_262 = arith.constant 1 : i32
    %min3A_263 = vector.broadcast %min3A_262 : i32 to vector<16xi32>
    %min3A_264 = arith.minsi %max3A_261, %min3A_263 : vector<16xi32>
    %convert_element_type3A_265 = arith.sitofp %min3A_264 : vector<16xi32> to vector<16xf32>
    %swap3A_266 = arith.constant 240 : index
    %swap3A_267 = tpu.vector_load %arg8[%swap3A_266] {strides = array<i32>} : memref<512xf32, #tpu.memory_space<vmem>>, vector<16xf32>,
    tpu.vector_store %arg8[%swap3A_266], %convert_element_type3A_265 {strides = array<i32>} : memref<512xf32, #tpu.memory_space<vmem>>, vector<16xf32>,
    %get3A_268 = arith.constant 2 : i32
    %get3A_269 = arith.index_cast %get3A_268 : i32 to index
    %get3A_270 = arith.constant 0 : index
    %get3A_271 = tpu.vector_load %arg7[%get3A_269, %get3A_270] {strides = array<i32>} : memref<4x128xi32, #tpu.memory_space<vmem>>, vector<16xi32>,
    %max3A_272 = arith.constant 0 : i32
    %max3A_273 = vector.broadcast %max3A_272 : i32 to vector<16xi32>
    %max3A_274 = arith.maxsi %get3A_271, %max3A_273 : vector<16xi32>
    %min3A_275 = arith.constant 1 : i32
    %min3A_276 = vector.broadcast %min3A_275 : i32 to vector<16xi32>
    %min3A_277 = arith.minsi %max3A_274, %min3A_276 : vector<16xi32>
    %convert_element_type3A_278 = arith.sitofp %min3A_277 : vector<16xi32> to vector<16xf32>
    %swap3A_279 = arith.constant 256 : index
    %swap3A_280 = tpu.vector_load %arg8[%swap3A_279] {strides = array<i32>} : memref<512xf32, #tpu.memory_space<vmem>>, vector<16xf32>,
    tpu.vector_store %arg8[%swap3A_279], %convert_element_type3A_278 {strides = array<i32>} : memref<512xf32, #tpu.memory_space<vmem>>, vector<16xf32>,
    %get3A_281 = arith.constant 2 : i32
    %get3A_282 = arith.index_cast %get3A_281 : i32 to index
    %get3A_283 = arith.constant 16 : index
    %get3A_284 = tpu.vector_load %arg7[%get3A_282, %get3A_283] {strides = array<i32>} : memref<4x128xi32, #tpu.memory_space<vmem>>, vector<16xi32>,
    %max3A_285 = arith.constant 0 : i32
    %max3A_286 = vector.broadcast %max3A_285 : i32 to vector<16xi32>
    %max3A_287 = arith.maxsi %get3A_284, %max3A_286 : vector<16xi32>
    %min3A_288 = arith.constant 1 : i32
    %min3A_289 = vector.broadcast %min3A_288 : i32 to vector<16xi32>
    %min3A_290 = arith.minsi %max3A_287, %min3A_289 : vector<16xi32>
    %convert_element_type3A_291 = arith.sitofp %min3A_290 : vector<16xi32> to vector<16xf32>
    %swap3A_292 = arith.constant 272 : index
    %swap3A_293 = tpu.vector_load %arg8[%swap3A_292] {strides = array<i32>} : memref<512xf32, #tpu.memory_space<vmem>>, vector<16xf32>,
    tpu.vector_store %arg8[%swap3A_292], %convert_element_type3A_291 {strides = array<i32>} : memref<512xf32, #tpu.memory_space<vmem>>, vector<16xf32>,
    %get3A_294 = arith.constant 2 : i32
    %get3A_295 = arith.index_cast %get3A_294 : i32 to index
    %get3A_296 = arith.constant 32 : index
    %get3A_297 = tpu.vector_load %arg7[%get3A_295, %get3A_296] {strides = array<i32>} : memref<4x128xi32, #tpu.memory_space<vmem>>, vector<16xi32>,
    %max3A_298 = arith.constant 0 : i32
    %max3A_299 = vector.broadcast %max3A_298 : i32 to vector<16xi32>
    %max3A_300 = arith.maxsi %get3A_297, %max3A_299 : vector<16xi32>
    %min3A_301 = arith.constant 1 : i32
    %min3A_302 = vector.broadcast %min3A_301 : i32 to vector<16xi32>
    %min3A_303 = arith.minsi %max3A_300, %min3A_302 : vector<16xi32>
    %convert_element_type3A_304 = arith.sitofp %min3A_303 : vector<16xi32> to vector<16xf32>
    %swap3A_305 = arith.constant 288 : index
    %swap3A_306 = tpu.vector_load %arg8[%swap3A_305] {strides = array<i32>} : memref<512xf32, #tpu.memory_space<vmem>>, vector<16xf32>,
    tpu.vector_store %arg8[%swap3A_305], %convert_element_type3A_304 {strides = array<i32>} : memref<512xf32, #tpu.memory_space<vmem>>, vector<16xf32>,
    %get3A_307 = arith.constant 2 : i32
    %get3A_308 = arith.index_cast %get3A_307 : i32 to index
    %get3A_309 = arith.constant 48 : index
    %get3A_310 = tpu.vector_load %arg7[%get3A_308, %get3A_309] {strides = array<i32>} : memref<4x128xi32, #tpu.memory_space<vmem>>, vector<16xi32>,
    %max3A_311 = arith.constant 0 : i32
    %max3A_312 = vector.broadcast %max3A_311 : i32 to vector<16xi32>
    %max3A_313 = arith.maxsi %get3A_310, %max3A_312 : vector<16xi32>
    %min3A_314 = arith.constant 1 : i32
    %min3A_315 = vector.broadcast %min3A_314 : i32 to vector<16xi32>
    %min3A_316 = arith.minsi %max3A_313, %min3A_315 : vector<16xi32>
    %convert_element_type3A_317 = arith.sitofp %min3A_316 : vector<16xi32> to vector<16xf32>
    %swap3A_318 = arith.constant 304 : index
    %swap3A_319 = tpu.vector_load %arg8[%swap3A_318] {strides = array<i32>} : memref<512xf32, #tpu.memory_space<vmem>>, vector<16xf32>,
    tpu.vector_store %arg8[%swap3A_318], %convert_element_type3A_317 {strides = array<i32>} : memref<512xf32, #tpu.memory_space<vmem>>, vector<16xf32>,
    %get3A_320 = arith.constant 2 : i32
    %get3A_321 = arith.index_cast %get3A_320 : i32 to index
    %get3A_322 = arith.constant 64 : index
    %get3A_323 = tpu.vector_load %arg7[%get3A_321, %get3A_322] {strides = array<i32>} : memref<4x128xi32, #tpu.memory_space<vmem>>, vector<16xi32>,
    %max3A_324 = arith.constant 0 : i32
    %max3A_325 = vector.broadcast %max3A_324 : i32 to vector<16xi32>
    %max3A_326 = arith.maxsi %get3A_323, %max3A_325 : vector<16xi32>
    %min3A_327 = arith.constant 1 : i32
    %min3A_328 = vector.broadcast %min3A_327 : i32 to vector<16xi32>
    %min3A_329 = arith.minsi %max3A_326, %min3A_328 : vector<16xi32>
    %convert_element_type3A_330 = arith.sitofp %min3A_329 : vector<16xi32> to vector<16xf32>
    %swap3A_331 = arith.constant 320 : index
    %swap3A_332 = tpu.vector_load %arg8[%swap3A_331] {strides = array<i32>} : memref<512xf32, #tpu.memory_space<vmem>>, vector<16xf32>,
    tpu.vector_store %arg8[%swap3A_331], %convert_element_type3A_330 {strides = array<i32>} : memref<512xf32, #tpu.memory_space<vmem>>, vector<16xf32>,
    %get3A_333 = arith.constant 2 : i32
    %get3A_334 = arith.index_cast %get3A_333 : i32 to index
    %get3A_335 = arith.constant 80 : index
    %get3A_336 = tpu.vector_load %arg7[%get3A_334, %get3A_335] {strides = array<i32>} : memref<4x128xi32, #tpu.memory_space<vmem>>, vector<16xi32>,
    %max3A_337 = arith.constant 0 : i32
    %max3A_338 = vector.broadcast %max3A_337 : i32 to vector<16xi32>
    %max3A_339 = arith.maxsi %get3A_336, %max3A_338 : vector<16xi32>
    %min3A_340 = arith.constant 1 : i32
    %min3A_341 = vector.broadcast %min3A_340 : i32 to vector<16xi32>
    %min3A_342 = arith.minsi %max3A_339, %min3A_341 : vector<16xi32>
    %convert_element_type3A_343 = arith.sitofp %min3A_342 : vector<16xi32> to vector<16xf32>
    %swap3A_344 = arith.constant 336 : index
    %swap3A_345 = tpu.vector_load %arg8[%swap3A_344] {strides = array<i32>} : memref<512xf32, #tpu.memory_space<vmem>>, vector<16xf32>,
    tpu.vector_store %arg8[%swap3A_344], %convert_element_type3A_343 {strides = array<i32>} : memref<512xf32, #tpu.memory_space<vmem>>, vector<16xf32>,
    %get3A_346 = arith.constant 2 : i32
    %get3A_347 = arith.index_cast %get3A_346 : i32 to index
    %get3A_348 = arith.constant 96 : index
    %get3A_349 = tpu.vector_load %arg7[%get3A_347, %get3A_348] {strides = array<i32>} : memref<4x128xi32, #tpu.memory_space<vmem>>, vector<16xi32>,
    %max3A_350 = arith.constant 0 : i32
    %max3A_351 = vector.broadcast %max3A_350 : i32 to vector<16xi32>
    %max3A_352 = arith.maxsi %get3A_349, %max3A_351 : vector<16xi32>
    %min3A_353 = arith.constant 1 : i32
    %min3A_354 = vector.broadcast %min3A_353 : i32 to vector<16xi32>
    %min3A_355 = arith.minsi %max3A_352, %min3A_354 : vector<16xi32>
    %convert_element_type3A_356 = arith.sitofp %min3A_355 : vector<16xi32> to vector<16xf32>
    %swap3A_357 = arith.constant 352 : index
    %swap3A_358 = tpu.vector_load %arg8[%swap3A_357] {strides = array<i32>} : memref<512xf32, #tpu.memory_space<vmem>>, vector<16xf32>,
    tpu.vector_store %arg8[%swap3A_357], %convert_element_type3A_356 {strides = array<i32>} : memref<512xf32, #tpu.memory_space<vmem>>, vector<16xf32>,
    %get3A_359 = arith.constant 2 : i32
    %get3A_360 = arith.index_cast %get3A_359 : i32 to index
    %get3A_361 = arith.constant 112 : index
    %get3A_362 = tpu.vector_load %arg7[%get3A_360, %get3A_361] {strides = array<i32>} : memref<4x128xi32, #tpu.memory_space<vmem>>, vector<16xi32>,
    %max3A_363 = arith.constant 0 : i32
    %max3A_364 = vector.broadcast %max3A_363 : i32 to vector<16xi32>
    %max3A_365 = arith.maxsi %get3A_362, %max3A_364 : vector<16xi32>
    %min3A_366 = arith.constant 1 : i32
    %min3A_367 = vector.broadcast %min3A_366 : i32 to vector<16xi32>
    %min3A_368 = arith.minsi %max3A_365, %min3A_367 : vector<16xi32>
    %convert_element_type3A_369 = arith.sitofp %min3A_368 : vector<16xi32> to vector<16xf32>
    %swap3A_370 = arith.constant 368 : index
    %swap3A_371 = tpu.vector_load %arg8[%swap3A_370] {strides = array<i32>} : memref<512xf32, #tpu.memory_space<vmem>>, vector<16xf32>,
    tpu.vector_store %arg8[%swap3A_370], %convert_element_type3A_369 {strides = array<i32>} : memref<512xf32, #tpu.memory_space<vmem>>, vector<16xf32>,
    %get3A_372 = arith.constant 3 : i32
    %get3A_373 = arith.index_cast %get3A_372 : i32 to index
    %get3A_374 = arith.constant 0 : index
    %get3A_375 = tpu.vector_load %arg7[%get3A_373, %get3A_374] {strides = array<i32>} : memref<4x128xi32, #tpu.memory_space<vmem>>, vector<16xi32>,
    %max3A_376 = arith.constant 0 : i32
    %max3A_377 = vector.broadcast %max3A_376 : i32 to vector<16xi32>
    %max3A_378 = arith.maxsi %get3A_375, %max3A_377 : vector<16xi32>
    %min3A_379 = arith.constant 1 : i32
    %min3A_380 = vector.broadcast %min3A_379 : i32 to vector<16xi32>
    %min3A_381 = arith.minsi %max3A_378, %min3A_380 : vector<16xi32>
    %convert_element_type3A_382 = arith.sitofp %min3A_381 : vector<16xi32> to vector<16xf32>
    %swap3A_383 = arith.constant 384 : index
    %swap3A_384 = tpu.vector_load %arg8[%swap3A_383] {strides = array<i32>} : memref<512xf32, #tpu.memory_space<vmem>>, vector<16xf32>,
    tpu.vector_store %arg8[%swap3A_383], %convert_element_type3A_382 {strides = array<i32>} : memref<512xf32, #tpu.memory_space<vmem>>, vector<16xf32>,
    %get3A_385 = arith.constant 3 : i32
    %get3A_386 = arith.index_cast %get3A_385 : i32 to index
    %get3A_387 = arith.constant 16 : index
    %get3A_388 = tpu.vector_load %arg7[%get3A_386, %get3A_387] {strides = array<i32>} : memref<4x128xi32, #tpu.memory_space<vmem>>, vector<16xi32>,
    %max3A_389 = arith.constant 0 : i32
    %max3A_390 = vector.broadcast %max3A_389 : i32 to vector<16xi32>
    %max3A_391 = arith.maxsi %get3A_388, %max3A_390 : vector<16xi32>
    %min3A_392 = arith.constant 1 : i32
    %min3A_393 = vector.broadcast %min3A_392 : i32 to vector<16xi32>
    %min3A_394 = arith.minsi %max3A_391, %min3A_393 : vector<16xi32>
    %convert_element_type3A_395 = arith.sitofp %min3A_394 : vector<16xi32> to vector<16xf32>
    %swap3A_396 = arith.constant 400 : index
    %swap3A_397 = tpu.vector_load %arg8[%swap3A_396] {strides = array<i32>} : memref<512xf32, #tpu.memory_space<vmem>>, vector<16xf32>,
    tpu.vector_store %arg8[%swap3A_396], %convert_element_type3A_395 {strides = array<i32>} : memref<512xf32, #tpu.memory_space<vmem>>, vector<16xf32>,
    %get3A_398 = arith.constant 3 : i32
    %get3A_399 = arith.index_cast %get3A_398 : i32 to index
    %get3A_400 = arith.constant 32 : index
    %get3A_401 = tpu.vector_load %arg7[%get3A_399, %get3A_400] {strides = array<i32>} : memref<4x128xi32, #tpu.memory_space<vmem>>, vector<16xi32>,
    %max3A_402 = arith.constant 0 : i32
    %max3A_403 = vector.broadcast %max3A_402 : i32 to vector<16xi32>
    %max3A_404 = arith.maxsi %get3A_401, %max3A_403 : vector<16xi32>
    %min3A_405 = arith.constant 1 : i32
    %min3A_406 = vector.broadcast %min3A_405 : i32 to vector<16xi32>
    %min3A_407 = arith.minsi %max3A_404, %min3A_406 : vector<16xi32>
    %convert_element_type3A_408 = arith.sitofp %min3A_407 : vector<16xi32> to vector<16xf32>
    %swap3A_409 = arith.constant 416 : index
    %swap3A_410 = tpu.vector_load %arg8[%swap3A_409] {strides = array<i32>} : memref<512xf32, #tpu.memory_space<vmem>>, vector<16xf32>,
    tpu.vector_store %arg8[%swap3A_409], %convert_element_type3A_408 {strides = array<i32>} : memref<512xf32, #tpu.memory_space<vmem>>, vector<16xf32>,
    %get3A_411 = arith.constant 3 : i32
    %get3A_412 = arith.index_cast %get3A_411 : i32 to index
    %get3A_413 = arith.constant 48 : index
    %get3A_414 = tpu.vector_load %arg7[%get3A_412, %get3A_413] {strides = array<i32>} : memref<4x128xi32, #tpu.memory_space<vmem>>, vector<16xi32>,
    %max3A_415 = arith.constant 0 : i32
    %max3A_416 = vector.broadcast %max3A_415 : i32 to vector<16xi32>
    %max3A_417 = arith.maxsi %get3A_414, %max3A_416 : vector<16xi32>
    %min3A_418 = arith.constant 1 : i32
    %min3A_419 = vector.broadcast %min3A_418 : i32 to vector<16xi32>
    %min3A_420 = arith.minsi %max3A_417, %min3A_419 : vector<16xi32>
    %convert_element_type3A_421 = arith.sitofp %min3A_420 : vector<16xi32> to vector<16xf32>
    %swap3A_422 = arith.constant 432 : index
    %swap3A_423 = tpu.vector_load %arg8[%swap3A_422] {strides = array<i32>} : memref<512xf32, #tpu.memory_space<vmem>>, vector<16xf32>,
    tpu.vector_store %arg8[%swap3A_422], %convert_element_type3A_421 {strides = array<i32>} : memref<512xf32, #tpu.memory_space<vmem>>, vector<16xf32>,
    %get3A_424 = arith.constant 3 : i32
    %get3A_425 = arith.index_cast %get3A_424 : i32 to index
    %get3A_426 = arith.constant 64 : index
    %get3A_427 = tpu.vector_load %arg7[%get3A_425, %get3A_426] {strides = array<i32>} : memref<4x128xi32, #tpu.memory_space<vmem>>, vector<16xi32>,
    %max3A_428 = arith.constant 0 : i32
    %max3A_429 = vector.broadcast %max3A_428 : i32 to vector<16xi32>
    %max3A_430 = arith.maxsi %get3A_427, %max3A_429 : vector<16xi32>
    %min3A_431 = arith.constant 1 : i32
    %min3A_432 = vector.broadcast %min3A_431 : i32 to vector<16xi32>
    %min3A_433 = arith.minsi %max3A_430, %min3A_432 : vector<16xi32>
    %convert_element_type3A_434 = arith.sitofp %min3A_433 : vector<16xi32> to vector<16xf32>
    %swap3A_435 = arith.constant 448 : index
    %swap3A_436 = tpu.vector_load %arg8[%swap3A_435] {strides = array<i32>} : memref<512xf32, #tpu.memory_space<vmem>>, vector<16xf32>,
    tpu.vector_store %arg8[%swap3A_435], %convert_element_type3A_434 {strides = array<i32>} : memref<512xf32, #tpu.memory_space<vmem>>, vector<16xf32>,
    %get3A_437 = arith.constant 3 : i32
    %get3A_438 = arith.index_cast %get3A_437 : i32 to index
    %get3A_439 = arith.constant 80 : index
    %get3A_440 = tpu.vector_load %arg7[%get3A_438, %get3A_439] {strides = array<i32>} : memref<4x128xi32, #tpu.memory_space<vmem>>, vector<16xi32>,
    %max3A_441 = arith.constant 0 : i32
    %max3A_442 = vector.broadcast %max3A_441 : i32 to vector<16xi32>
    %max3A_443 = arith.maxsi %get3A_440, %max3A_442 : vector<16xi32>
    %min3A_444 = arith.constant 1 : i32
    %min3A_445 = vector.broadcast %min3A_444 : i32 to vector<16xi32>
    %min3A_446 = arith.minsi %max3A_443, %min3A_445 : vector<16xi32>
    %convert_element_type3A_447 = arith.sitofp %min3A_446 : vector<16xi32> to vector<16xf32>
    %swap3A_448 = arith.constant 464 : index
    %swap3A_449 = tpu.vector_load %arg8[%swap3A_448] {strides = array<i32>} : memref<512xf32, #tpu.memory_space<vmem>>, vector<16xf32>,
    tpu.vector_store %arg8[%swap3A_448], %convert_element_type3A_447 {strides = array<i32>} : memref<512xf32, #tpu.memory_space<vmem>>, vector<16xf32>,
    %get3A_450 = arith.constant 3 : i32
    %get3A_451 = arith.index_cast %get3A_450 : i32 to index
    %get3A_452 = arith.constant 96 : index
    %get3A_453 = tpu.vector_load %arg7[%get3A_451, %get3A_452] {strides = array<i32>} : memref<4x128xi32, #tpu.memory_space<vmem>>, vector<16xi32>,
    %max3A_454 = arith.constant 0 : i32
    %max3A_455 = vector.broadcast %max3A_454 : i32 to vector<16xi32>
    %max3A_456 = arith.maxsi %get3A_453, %max3A_455 : vector<16xi32>
    %min3A_457 = arith.constant 1 : i32
    %min3A_458 = vector.broadcast %min3A_457 : i32 to vector<16xi32>
    %min3A_459 = arith.minsi %max3A_456, %min3A_458 : vector<16xi32>
    %convert_element_type3A_460 = arith.sitofp %min3A_459 : vector<16xi32> to vector<16xf32>
    %swap3A_461 = arith.constant 480 : index
    %swap3A_462 = tpu.vector_load %arg8[%swap3A_461] {strides = array<i32>} : memref<512xf32, #tpu.memory_space<vmem>>, vector<16xf32>,
    tpu.vector_store %arg8[%swap3A_461], %convert_element_type3A_460 {strides = array<i32>} : memref<512xf32, #tpu.memory_space<vmem>>, vector<16xf32>,
    %get3A_463 = arith.constant 3 : i32
    %get3A_464 = arith.index_cast %get3A_463 : i32 to index
    %get3A_465 = arith.constant 112 : index
    %get3A_466 = tpu.vector_load %arg7[%get3A_464, %get3A_465] {strides = array<i32>} : memref<4x128xi32, #tpu.memory_space<vmem>>, vector<16xi32>,
    %max3A_467 = arith.constant 0 : i32
    %max3A_468 = vector.broadcast %max3A_467 : i32 to vector<16xi32>
    %max3A_469 = arith.maxsi %get3A_466, %max3A_468 : vector<16xi32>
    %min3A_470 = arith.constant 1 : i32
    %min3A_471 = vector.broadcast %min3A_470 : i32 to vector<16xi32>
    %min3A_472 = arith.minsi %max3A_469, %min3A_471 : vector<16xi32>
    %convert_element_type3A_473 = arith.sitofp %min3A_472 : vector<16xi32> to vector<16xf32>
    %swap3A_474 = arith.constant 496 : index
    %swap3A_475 = tpu.vector_load %arg8[%swap3A_474] {strides = array<i32>} : memref<512xf32, #tpu.memory_space<vmem>>, vector<16xf32>,
    tpu.vector_store %arg8[%swap3A_474], %convert_element_type3A_473 {strides = array<i32>} : memref<512xf32, #tpu.memory_space<vmem>>, vector<16xf32>,
    %dma_wait3A = arith.constant 0 : i32
    %dma_wait3A_476 = arith.constant 0 : i32
    %dma_wait3A_477 = arith.constant 0 : i32
    %dma_wait3A_478 = tpu.memref_slice %arg9[%dma_wait3A_476, %dma_wait3A_477] : memref<512x64xf32, #tpu.memory_space<vmem>> -> memref<128x64xf32, #tpu.memory_space<vmem>>
    %dma_wait3A_479 = arith.constant 0 : i32
    %dma_wait3A_480 = tpu.memref_slice %arg6[%dma_wait3A, %dma_wait3A_479] : memref<4x128xi32, #tpu.memory_space<vmem>> -> memref<1x128xi32, #tpu.memory_space<vmem>>
    %dma_wait3A_481 = tpu.memref_squeeze %dma_wait3A_480 : memref<1x128xi32, #tpu.memory_space<vmem>> -> memref<128xi32, #tpu.memory_space<vmem>>
    %dma_wait3A_482 = arith.constant 0 : i32
    %dma_wait3A_483 = arith.constant 0 : i32
    %dma_wait3A_484 = tpu.memref_slice %arg4[%dma_wait3A_482, %dma_wait3A_483] : memref<1000000x64xf32, #tpu.memory_space<hbm>> -> memref<1000000x64xf32, #tpu.memory_space<hbm>>
    tpu.wait_indirect_dma semaphore(%arg10 : memref<!tpu.dma_semaphore, #tpu.memory_space<semaphore_mem>>) src(%dma_wait3A_484 : memref<1000000x64xf32, #tpu.memory_space<hbm>>) dst(%dma_wait3A_478 : memref<128x64xf32, #tpu.memory_space<vmem>>)
    %dma_wait3A_485 = arith.constant 1 : i32
    %dma_wait3A_486 = arith.constant 128 : i32
    %dma_wait3A_487 = arith.constant 0 : i32
    %dma_wait3A_488 = tpu.memref_slice %arg9[%dma_wait3A_486, %dma_wait3A_487] : memref<512x64xf32, #tpu.memory_space<vmem>> -> memref<128x64xf32, #tpu.memory_space<vmem>>
    %dma_wait3A_489 = arith.constant 0 : i32
    %dma_wait3A_490 = tpu.memref_slice %arg6[%dma_wait3A_485, %dma_wait3A_489] : memref<4x128xi32, #tpu.memory_space<vmem>> -> memref<1x128xi32, #tpu.memory_space<vmem>>
    %dma_wait3A_491 = tpu.memref_squeeze %dma_wait3A_490 : memref<1x128xi32, #tpu.memory_space<vmem>> -> memref<128xi32, #tpu.memory_space<vmem>>
    %dma_wait3A_492 = arith.constant 0 : i32
    %dma_wait3A_493 = arith.constant 0 : i32
    %dma_wait3A_494 = tpu.memref_slice %arg4[%dma_wait3A_492, %dma_wait3A_493] : memref<1000000x64xf32, #tpu.memory_space<hbm>> -> memref<1000000x64xf32, #tpu.memory_space<hbm>>
    tpu.wait_indirect_dma semaphore(%arg10 : memref<!tpu.dma_semaphore, #tpu.memory_space<semaphore_mem>>) src(%dma_wait3A_494 : memref<1000000x64xf32, #tpu.memory_space<hbm>>) dst(%dma_wait3A_488 : memref<128x64xf32, #tpu.memory_space<vmem>>)
    %dma_wait3A_495 = arith.constant 2 : i32
    %dma_wait3A_496 = arith.constant 256 : i32
    %dma_wait3A_497 = arith.constant 0 : i32
    %dma_wait3A_498 = tpu.memref_slice %arg9[%dma_wait3A_496, %dma_wait3A_497] : memref<512x64xf32, #tpu.memory_space<vmem>> -> memref<128x64xf32, #tpu.memory_space<vmem>>
    %dma_wait3A_499 = arith.constant 0 : i32
    %dma_wait3A_500 = tpu.memref_slice %arg6[%dma_wait3A_495, %dma_wait3A_499] : memref<4x128xi32, #tpu.memory_space<vmem>> -> memref<1x128xi32, #tpu.memory_space<vmem>>
    %dma_wait3A_501 = tpu.memref_squeeze %dma_wait3A_500 : memref<1x128xi32, #tpu.memory_space<vmem>> -> memref<128xi32, #tpu.memory_space<vmem>>
    %dma_wait3A_502 = arith.constant 0 : i32
    %dma_wait3A_503 = arith.constant 0 : i32
    %dma_wait3A_504 = tpu.memref_slice %arg4[%dma_wait3A_502, %dma_wait3A_503] : memref<1000000x64xf32, #tpu.memory_space<hbm>> -> memref<1000000x64xf32, #tpu.memory_space<hbm>>
    tpu.wait_indirect_dma semaphore(%arg10 : memref<!tpu.dma_semaphore, #tpu.memory_space<semaphore_mem>>) src(%dma_wait3A_504 : memref<1000000x64xf32, #tpu.memory_space<hbm>>) dst(%dma_wait3A_498 : memref<128x64xf32, #tpu.memory_space<vmem>>)
    %dma_wait3A_505 = arith.constant 3 : i32
    %dma_wait3A_506 = arith.constant 384 : i32
    %dma_wait3A_507 = arith.constant 0 : i32
    %dma_wait3A_508 = tpu.memref_slice %arg9[%dma_wait3A_506, %dma_wait3A_507] : memref<512x64xf32, #tpu.memory_space<vmem>> -> memref<128x64xf32, #tpu.memory_space<vmem>>
    %dma_wait3A_509 = arith.constant 0 : i32
    %dma_wait3A_510 = tpu.memref_slice %arg6[%dma_wait3A_505, %dma_wait3A_509] : memref<4x128xi32, #tpu.memory_space<vmem>> -> memref<1x128xi32, #tpu.memory_space<vmem>>
    %dma_wait3A_511 = tpu.memref_squeeze %dma_wait3A_510 : memref<1x128xi32, #tpu.memory_space<vmem>> -> memref<128xi32, #tpu.memory_space<vmem>>
    %dma_wait3A_512 = arith.constant 0 : i32
    %dma_wait3A_513 = arith.constant 0 : i32
    %dma_wait3A_514 = tpu.memref_slice %arg4[%dma_wait3A_512, %dma_wait3A_513] : memref<1000000x64xf32, #tpu.memory_space<hbm>> -> memref<1000000x64xf32, #tpu.memory_space<hbm>>
    tpu.wait_indirect_dma semaphore(%arg10 : memref<!tpu.dma_semaphore, #tpu.memory_space<semaphore_mem>>) src(%dma_wait3A_514 : memref<1000000x64xf32, #tpu.memory_space<hbm>>) dst(%dma_wait3A_508 : memref<128x64xf32, #tpu.memory_space<vmem>>)
    %scan3A = arith.constant 0 : i32
    %scan3A_515 = arith.constant 0 : i32
    %scan3A_516 = arith.constant 512 : i32
    %scan3A_517 = arith.addi %scan3A_515, %scan3A_516 : i32
    %scan3A_518 = arith.constant 1 : i32
    %scan3A_519 = scf.for %scan3A_521 = %scan3A_515 to %scan3A_517 step %scan3A_518 iter_args(%scan3A_522 = %scan3A) -> (i32)  : i32 {
      %broadcast_in_dim3A = vector.broadcast %scan3A_521 : i32 to vector<16xi32>
      %gather3A = tpu.vector_load_idx %arg8[%broadcast_in_dim3A] : memref<512xf32, #tpu.memory_space<vmem>>[vector<16xi32>], vector<16xf32>,
      %get3A_523 = arith.index_cast %scan3A_521 : i32 to index
      %get3A_524 = arith.constant 0 : index
      %get3A_525 = tpu.vector_load %arg9[%get3A_523, %get3A_524] {strides = array<i32>} : memref<512x64xf32, #tpu.memory_space<vmem>>, vector<16xf32>,
      %mul3A_526 = arith.mulf %get3A_525, %gather3A : vector<16xf32>
      %swap3A_527 = arith.index_cast %scan3A_521 : i32 to index
      %swap3A_528 = arith.constant 0 : index
      %swap3A_529 = tpu.vector_load %arg9[%swap3A_527, %swap3A_528] {strides = array<i32>} : memref<512x64xf32, #tpu.memory_space<vmem>>, vector<16xf32>,
      tpu.vector_store %arg9[%swap3A_527, %swap3A_528], %mul3A_526 {strides = array<i32>} : memref<512x64xf32, #tpu.memory_space<vmem>>, vector<16xf32>,
      %get3A_530 = arith.index_cast %scan3A_521 : i32 to index
      %get3A_531 = arith.constant 16 : index
      %get3A_532 = tpu.vector_load %arg9[%get3A_530, %get3A_531] {strides = array<i32>} : memref<512x64xf32, #tpu.memory_space<vmem>>, vector<16xf32>,
      %mul3A_533 = arith.mulf %get3A_532, %gather3A : vector<16xf32>
      %swap3A_534 = arith.index_cast %scan3A_521 : i32 to index
      %swap3A_535 = arith.constant 16 : index
      %swap3A_536 = tpu.vector_load %arg9[%swap3A_534, %swap3A_535] {strides = array<i32>} : memref<512x64xf32, #tpu.memory_space<vmem>>, vector<16xf32>,
      tpu.vector_store %arg9[%swap3A_534, %swap3A_535], %mul3A_533 {strides = array<i32>} : memref<512x64xf32, #tpu.memory_space<vmem>>, vector<16xf32>,
      %get3A_537 = arith.index_cast %scan3A_521 : i32 to index
      %get3A_538 = arith.constant 32 : index
      %get3A_539 = tpu.vector_load %arg9[%get3A_537, %get3A_538] {strides = array<i32>} : memref<512x64xf32, #tpu.memory_space<vmem>>, vector<16xf32>,
      %mul3A_540 = arith.mulf %get3A_539, %gather3A : vector<16xf32>
      %swap3A_541 = arith.index_cast %scan3A_521 : i32 to index
      %swap3A_542 = arith.constant 32 : index
      %swap3A_543 = tpu.vector_load %arg9[%swap3A_541, %swap3A_542] {strides = array<i32>} : memref<512x64xf32, #tpu.memory_space<vmem>>, vector<16xf32>,
      tpu.vector_store %arg9[%swap3A_541, %swap3A_542], %mul3A_540 {strides = array<i32>} : memref<512x64xf32, #tpu.memory_space<vmem>>, vector<16xf32>,
      %get3A_544 = arith.index_cast %scan3A_521 : i32 to index
      %get3A_545 = arith.constant 48 : index
      %get3A_546 = tpu.vector_load %arg9[%get3A_544, %get3A_545] {strides = array<i32>} : memref<512x64xf32, #tpu.memory_space<vmem>>, vector<16xf32>,
      %mul3A_547 = arith.mulf %get3A_546, %gather3A : vector<16xf32>
      %swap3A_548 = arith.index_cast %scan3A_521 : i32 to index
      %swap3A_549 = arith.constant 48 : index
      %swap3A_550 = tpu.vector_load %arg9[%swap3A_548, %swap3A_549] {strides = array<i32>} : memref<512x64xf32, #tpu.memory_space<vmem>>, vector<16xf32>,
      tpu.vector_store %arg9[%swap3A_548, %swap3A_549], %mul3A_547 {strides = array<i32>} : memref<512x64xf32, #tpu.memory_space<vmem>>, vector<16xf32>,
      %scan3A_551 = arith.constant 0 : i32
      scf.yield %scan3A_551 : i32
    }
    %scan3A_520 = arith.constant 512 : i32
    "tpu.region"() ({
      %run_scoped3A_521 = tpu.sem_alloc : memref<!tpu.dma_semaphore, #tpu.memory_space<semaphore_mem>>
      %dma_start3A_522 = arith.constant 0 : i32
      %dma_start3A_523 = tpu.memref_slice %arg5[%mul3A_2, %dma_start3A_522] : memref<16384x64xf32, #tpu.memory_space<hbm>> -> memref<512x64xf32, #tpu.memory_space<hbm>>
      %dma_start3A_524 = arith.constant 0 : i32
      %dma_start3A_525 = tpu.memref_slice %arg5[%mul3A_2, %dma_start3A_524] : memref<16384x64xf32, #tpu.memory_space<hbm>> -> memref<512x64xf32, #tpu.memory_space<hbm>>
      tpu.enqueue_dma source(%arg9 : memref<512x64xf32, #tpu.memory_space<vmem>>) target(%dma_start3A_525 : memref<512x64xf32, #tpu.memory_space<hbm>>) target_semaphore(%run_scoped3A_521 : memref<!tpu.dma_semaphore, #tpu.memory_space<semaphore_mem>>)
      %dma_wait3A_526 = arith.constant 0 : i32
      %dma_wait3A_527 = tpu.memref_slice %arg5[%mul3A_2, %dma_wait3A_526] : memref<16384x64xf32, #tpu.memory_space<hbm>> -> memref<512x64xf32, #tpu.memory_space<hbm>>
      %dma_wait3A_528 = arith.constant 0 : i32
      %dma_wait3A_529 = tpu.memref_slice %arg5[%mul3A_2, %dma_wait3A_528] : memref<16384x64xf32, #tpu.memory_space<hbm>> -> memref<512x64xf32, #tpu.memory_space<hbm>>
      tpu.wait_dma2 semaphore(%run_scoped3A_521 : memref<!tpu.dma_semaphore, #tpu.memory_space<semaphore_mem>>) src(%arg9 : memref<512x64xf32, #tpu.memory_space<vmem>>) dst(%dma_wait3A_529 : memref<512x64xf32, #tpu.memory_space<hbm>>)
      tpu.yield
    }) : () -> ()
    return
  }
}

</mosaic_0001>

<sc_bundles>
// kernel: kernel.3.cloned.1.call-start
scs
__scs_entry_jumppad:
0x0: {  	(pc) =	sbr.rel $0x88, $3  }
0x1: {  	(tag) =	ssettag $0x0;
	lr =	simm.s32 $0x1  }
0x2: {  	[smem:$0x3F9E] =	sst lr;
	_ =	strace $0xD0000000  }
0x3: {  	_ = 	snop  }
0x4: {  	_ = 	snop  }
0x5: {  	_ = 	snop  }
0x6: {  	_ = 	snop  }
0x7: {  	_ = 	snop  }
__scs_overlays_trampoline_lowered:
0x8: {  	[smem:$0x3FAD] =	sst s0  }
0x9: {  	[smem:$0x3FAE] =	sst s1  }
0xa: {  	[smem:$0x3FAF] =	sst s2  }
0xb: {  	[smem:$0x3FB0] =	sst s3  }
0xc: {  	[smem:$0x3FB1] =	sst s4  }
0xd: {  	[smem:$0x3FB2] =	sst s5  }
0xe: {  	[smem:$0x3FB3] =	sst s6  }
0xf: {  	[smem:$0x3FB4] =	sst s7  }
0x10: {  	[smem:$0x3FB5] =	sst s8  }
0x11: {  	[smem:$0x3FB6] =	sst s9;
	s0 =	simm.s32 @!p0 $0x0  }
0x12: {  	s1 =	sld [smem:$0x3F9C];
	s0 =	simm.s32 @p0 $0x1  }
0x13: {  	[smem:$0x3FB7] =	sst s0;
	s0 =	simm.s32 @!p1 $0x0  }
0x14: {  	s2 =	sld [smem:$0x3F9B];
	s0 =	simm.s32 @p1 $0x1  }
0x15: {  	[smem:$0x3FB8] =	sst s0;
	s0 =	simm.s32 @!p2 $0x0  }
0x16: {  	s3 =	sld [smem:$0x3FDB];
	s0 =	simm.s32 @p2 $0x1  }
0x17: {  	s4 =	simm.s32 $0x1BF5;
	[smem:$0x3FBA] =	sst s0  }
0x18: {  	s0 =	sld [smem:$0x3F9D];
	_ =	swait.ge [sflag:s4], $0x0  }
0x19: {  	s7 =	sld [smem:$0x3F9E]  }
0x1a: {  	s8 =	sadd.s32 $0xFFFFE003, lr  }
0x1b: {  	s9 =	sadd.s32 $0xFFFFFEF7, lr;
	s5 =	simm.s32 $0xFFFFFFFF;
	p2 =	slt.u32 s8, $0xFFFFF086  }
0x1c: {  	p1 =	slt.u32 s9, $0xF7A;
	s5 =	simm.s32 @!p2 $0x0  }
0x1d: {  	s5 =	simm.s32 @p1 $0x1;
	p0 =	seq.s32 s7, s2  }
0x1e: {  	s7 =	smul.u32 @!p0 $0xF7A, s2;
	p2 =	seq.s32 @!p0 s5, $0x0  }
0x1f: {  	s9 =	smul.u32 $0xF7A, s1;
	s8 =	simm.s32 @!p0 $0x1BF5;
	p2 =	por !p2, p0  }
0x20: {  	[sflag:s8] =	ssyncset.s32 @!p0 $0xFFFFF086;
	s6 =	sadd.s32 @!p0 s3, s7;
	s7 =	simm.s32 @!p0 $0x108  }
0x21: {  	s3 =	sadd.s32 s3, s9;
	s6 =	sadd.s32 @!p0 $0x88, s6;
	s7 =	simm.s32 @p2 $0x1082  }
0x22: {  	[simem:s7], [sflag:s8] =	dma.local @!p0 [hbm:s6], $0xF7A  }
0x23: {  	s9 =	sor.u32 $0xD0000000, s2;
	s6 =	simm.s32 $0x108;
	_ =	swait.ge @!p0 [sflag:s8], $0x0  }
0x24: {  	s3 =	sadd.s32 $0x88, s3;
	s6 =	simm.s32 @!p1 $0x1082;
	[sflag:s4] =	ssyncset.s32 $0xFFFFF086  }
0x25: {  	[simem:s6], [sflag:s4] =	dma.local [hbm:s3], $0xF7A  }
0x26: {  	[smem:$0x3F9E] =	sst s1;
	(tag) =	ssettag s2;
	_ =	strace s9  }
0x27: {  	s1 =	sld [smem:$0x3FAE]  }
0x28: {  	s2 =	sld [smem:$0x3FAF]  }
0x29: {  	s4 =	sld [smem:$0x3FB1]  }
0x2a: {  	p0 =	seq.s32 s5, $0x0;
	s5 =	sld [smem:$0x3FB2]  }
0x2b: {  	s6 =	sld [smem:$0x3FB3]  }
0x2c: {  	s7 =	sld [smem:$0x3FB4]  }
0x2d: {  	s3 =	simm.s32 $0x108;
	s8 =	sld [smem:$0x3FB5]  }
0x2e: {  	s3 =	simm.s32 @!p0 $0x1082;
	s9 =	sld [smem:$0x3FB6]  }
0x2f: {  	lr =	sadd.s32 s0, s3;
	s0 =	sld [smem:$0x3FAD]  }
0x30: {  	s3 =	sld [smem:$0x3FB0]  }
0x31: {  	[smem:$0x3FB9] =	sst s10  }
0x32: {  	s10 =	sld [smem:$0x3FB7];
	_ =	sdelay $0x3  }
0x33: {  	p0 =	seq.s32 s10, $0x1;
	s10 =	sld [smem:$0x3FB9];
	_ =	sdelay $0x3  }
0x34: {  	[smem:$0x3FB9] =	sst s10  }
0x35: {  	s10 =	sld [smem:$0x3FB8];
	_ =	sdelay $0x3  }
0x36: {  	p1 =	seq.s32 s10, $0x1;
	s10 =	sld [smem:$0x3FB9];
	_ =	sdelay $0x3  }
0x37: {  	[smem:$0x3FB9] =	sst s10  }
0x38: {  	s10 =	sld [smem:$0x3FBA]  }
0x39: {  	_ = 	snop;
	(pc) =	sbr.ind lr, $3  }
0x3a: {  	_ = 	snop  }
0x3b: {  	_ = 	snop  }
0x3c: {  	p2 =	seq.s32 s10, $0x1;
	s10 =	sld [smem:$0x3FB9]  }
0x3d: {  	_ =	shalt  }
0x3e: {  	_ =	shalt  }
0x3f: {  	_ =	shalt  }
0x40: {  	_ =	shalt  }
0x41: {  	_ =	shalt  }
0x42: {  	_ =	shalt  }
0x43: {  	_ =	shalt  }
0x44: {  	_ =	shalt  }
0x45: {  	_ =	shalt  }
0x46: {  	_ =	shalt  }
0x47: {  	_ =	shalt  }
0x48: {  	_ =	shalt  }
0x49: {  	_ =	shalt  }
0x4a: {  	_ =	shalt  }
0x4b: {  	_ =	shalt  }
0x4c: {  	_ =	shalt  }
0x4d: {  	_ =	shalt  }
0x4e: {  	_ =	shalt  }
0x4f: {  	_ =	shalt  }
0x50: {  	_ =	shalt  }
0x51: {  	_ =	shalt  }
0x52: {  	_ =	shalt  }
0x53: {  	_ =	shalt  }
0x54: {  	_ =	shalt  }
0x55: {  	_ =	shalt  }
0x56: {  	_ =	shalt  }
0x57: {  	_ =	shalt  }
0x58: {  	_ =	shalt  }
0x59: {  	_ =	shalt  }
0x5a: {  	_ =	shalt  }
0x5b: {  	_ =	shalt  }
0x5c: {  	_ =	shalt  }
0x5d: {  	_ =	shalt  }
0x5e: {  	_ =	shalt  }
0x5f: {  	_ =	shalt  }
0x60: {  	_ =	shalt  }
0x61: {  	_ =	shalt  }
0x62: {  	_ =	shalt  }
0x63: {  	_ =	shalt  }
0x64: {  	_ =	shalt  }
0x65: {  	_ =	shalt  }
0x66: {  	_ =	shalt  }
0x67: {  	_ =	shalt  }
0x68: {  	_ =	shalt  }
0x69: {  	_ =	shalt  }
0x6a: {  	_ =	shalt  }
0x6b: {  	_ =	shalt  }
0x6c: {  	_ =	shalt  }
0x6d: {  	_ =	shalt  }
0x6e: {  	_ =	shalt  }
0x6f: {  	_ =	shalt  }
0x70: {  	_ =	shalt  }
0x71: {  	_ =	shalt  }
0x72: {  	_ =	shalt  }
0x73: {  	_ =	shalt  }
0x74: {  	_ =	shalt  }
0x75: {  	_ =	shalt  }
0x76: {  	_ =	shalt  }
0x77: {  	_ =	shalt  }
0x78: {  	_ =	shalt  }
0x79: {  	_ =	shalt  }
0x7a: {  	_ =	shalt  }
0x7b: {  	_ =	shalt  }
0x7c: {  	_ =	shalt  }
0x7d: {  	_ =	shalt  }
0x7e: {  	_ =	shalt  }
0x7f: {  	_ =	shalt  }
0x80: {  	_ =	shalt  }
0x81: {  	_ =	shalt  }
0x82: {  	_ =	shalt  }
0x83: {  	_ =	shalt  }
0x84: {  	_ =	shalt  }
0x85: {  	_ =	shalt  }
0x86: {  	_ =	shalt  }
0x87: {  	_ =	shalt  }
.Lfunc_end0:
.L_simem_size_0:
called_computation_lowered:
.L_overlay_start_0:
0x88: {  	s2 =	sld [smem:$0x3FD9]  }
0x89: {  	s3 =	sld [smem:$0x3FFE];
	_ =	sdelay $0x1  }
0x8a: {  	s1 =	srdreg.scid  }
0x8b: {  	s0 =	sand.u32 $0x1, s1  }
0x8c: {  	s17 =	sshll.u32 s0, $0xA;
	s2 =	sadd.s32 s3, s2  }
0x8d: {  	s2 =	sadd.s32 s2, s17  }
0x8e: {  	[smem:$0x3FC5] =	sst s2  }
0x8f: {  	_ = 	snop  }
0x90: {  	s2 =	sld [smem:$0x3FC9]  }
0x91: {  	s18 =	sld [smem:$0x3FC8]  }
0x92: {  	s4 =	sld [smem:$0x3FD0];
	(tm) =	ssettm $0x1  }
0x93: {  	s5 =	sld [smem:$0x3FFB];
	_ =	sdelay $0x3  }
0x94: {  	_ =	strace s5  }
0x95: {  	s5 =	sld [smem:$0x3FFC];
	_ =	sdelay $0x3  }
0x96: {  	_ =	strace s5  }
0x97: {  	s5 =	sld [smem:$0x3FFD];
	_ =	sdelay $0x3  }
0x98: {  	_ =	strace s5  }
0x99: {  	_ =	strace $0x8FFFFFFF  }
0x9a: {  	s19 =	sld [smem:$0x3FDB];
	_ =	sdelay $0x1  }
0x9b: {  	s6 =	simm.s32 $_scs_section_size  }
0x9c: {  	s7 =	simm.s32 $_size__tile_overlayer_lowered;
	s8 =	simm.s32 $_tile_overlayer_lowered  }
0x9d: {  	s22 =	simm.s32 $0x1BFF;
	s21 =	sshll.u32 s8, $0x1;
	s5 =	sadd.s32 s6, s19  }
0x9e: {  	s9 =	simm.s32 $0x0;
	s20 =	sshll.u32 s7, $0x1;
	s7 =	sadd.s32 s21, s5  }
0x9f: {  	[timem:s9], [sflag:s22] =	dma.local [hbm:s7], s20  }
0xa0: {  	_ =	swait.ge [sflag:s22], s20  }
0xa1: {  	s6 =	ssub.s32 $0x0, s20;
	[sflag:s22] =	ssyncset.done $0x0  }
0xa2: {  	[sflag:s22] =	ssyncadd.s32 s6;
	_ =	sdelay $0x1  }
0xa3: {  	s23 =	simm.s32 $0x1B8B  }
0xa4: {  	_ =	swait.ge [sflag:s23], $0x1  }
0xa5: {  	[sflag:s23] =	ssyncset.done $0x0  }
0xa6: {  	s25 =	simm.s32 $0x1B8E;
	s24 =	sld [smem:$0x3FFE];
	[sflag:s23] =	ssyncadd.s32 $0xFFFFFFFF  }
0xa7: {  	s26 =	simm.s32 $execute0_lowered;
	[smem:$0x3FD2] =	sst s25  }
0xa8: {  	s7 =	sshll.u32 s26, $0x1;
	_ =	strace $0x80000046;
	[dreg:$0x1] =	wrdreg $0xFFFFFFFF  }
0xa9: {  	s28 =	simm.s32 $_size_execute0_lowered;
	s5 =	sadd.s32 s5, s7;
	[dreg:$0x0] =	wrdreg $0x0  }
0xaa: {  	s7 =	sshll.u32 s28, $0x1;
	[dreg:$0x2] =	wrdreg s5  }
0xab: {  	[dreg:$0x3] =	wrdreg s7  }
0xac: {  	[dreg:$0x4] =	wrdreg $0xC0  }
0xad: {  	_ =	task [dreg:s9], $0x5FFFF  }
0xae: {  	[dreg:$0x1] =	wrdreg $0xFFFFFFFF  }
0xaf: {  	[dreg:$0x0] =	wrdreg $0x60  }
0xb0: {  	[dreg:$0x2] =	wrdreg s2  }
0xb1: {  	[dreg:$0x3] =	wrdreg s18  }
0xb2: {  	[dreg:$0x4] =	wrdreg s24  }
0xb3: {  	[dreg:$0x5] =	wrdreg s4  }
0xb4: {  	[dreg:$0x6] =	wrdreg $0x9  }
0xb5: {  	_ =	task.clear_ibuf [dreg:s9], $0x7FFFF;
	_ =	strace $0x90000046  }
0xb6: {  	s29 =	simm.s32 $0x9;
	_ =	strace $0x80000048  }
0xb7: {  	_ =	swait.ge [sflag:s29], $0x1  }
0xb8: {  	[sflag:s29] =	ssyncadd.s32 $0xFFFFFFFF  }
0xb9: {  	_ =	strace $0x90000048  }
0xba: {  	_ =	sfence  }
0xbb: {  	s30 =	sld [smem:$0x0];
	_ =	sdelay $0x2  }
0xbc: {  	s31 =	sshll.u32 s1, $0xD;
	s1 =	sshrl.u32 s1, $0x2  }
0xbd: {  	s3 =	sand.u32 $0x4000, s31;
	s1 =	sadd.s32 s1, s30  }
0xbe: {  	s0 =	sor.u32 s3, s0;
	s1 =	sshll.u32 s1, $0x11  }
0xbf: {  	s0 =	sor.u32 s1, s0  }
0xc0: {  	s0 =	sadd.s32 $0x8F2B, s0  }
0xc1: {  	[sflag:s0] =	ssyncadd.remote.s32 $0x1  }
0xc2: {  	_ =	sfence.sel $0xFFFF  }
0xc3: {  	[dreg:$0x0] =	wrdreg $0xFFFFFFFF;
	(pc) =	sbr.abs _section_cstart, $3  }
0xc4: {  	[dreg:$0x1] =	wrdreg $0xFFFFFFFF  }
0xc5: {  	_ =	task.clear_ibuf [dreg:s9], $0x2FFFF;
	_ =	strace $0x9FFFFFFF  }
0xc6: {  	(tm) =	ssettm $0x7FFFFFFF  }
0xc7: {  	_ =	shalt  }
tec
execute0_lowered:
.L_overlay_start_1:
0x0: {  	(tag) =	ssettag $0x1  }
0x1: {  	s0 =	rddreg [dreg:$0x0]  }
0x2: {  	s11 =	rddreg [dreg:$0x1]  }
0x3: {  	s3 =	rddreg [dreg:$0x2]  }
0x4: {  	s12 =	rddreg [dreg:$0x3];
	s4 =	srdreg.scid  }
0x5: {  	s2 =	simm.s32 $0x0;
	s1 =	stileid.u32;
	s16 =	simm.s32 $0x80  }
0x6: {  	s17 =	simm.s32 $0x280;
	s18 =	simm.s32 $0x100;
	s19 =	simm.s32 $0x300  }
0x7: {  	s20 =	simm.s32 $0x180;
	s21 =	simm.s32 $0x380;
	s22 =	simm.s32 $0x600  }
0x8: {  	s23 =	simm.s32 $0x2600;
	s24 =	simm.s32 $0x4600;
	s25 =	simm.s32 $0x6600  }
0x9: {  	s26 =	simm.s32 $0x1;
	s28 =	simm.s32 $0x400;
	s29 =	simm.s32 $0x0  }
0xa: {  	s4 =	sand.u32 $0x1, s4;
	[smem:$0x7FF] =	sst s2;
	s5 =	sshll.u32 s1, $0xA  }
0xb: {  	s3 =	sadd.s32 $0xF42800, s3;
	s6 =	sshll.u32 s4, $0x9;
	s4 =	ssub.s32 $0x2, s4  }
0xc: {  	_ =	strace $0x80000047;
	s13 =	sor.u32 s6, s5;
	s30 =	sshrl.u32 s4, $0x1  }
0xd: {  	s9 =	sshrl.u32 s13, $0x3;
	s14 =	ssub.s32 s4, s30;
	s31 =	sshll.u32 s13, $0x3  }
0xe: {  	s4 =	sadd.s32 s0, s9;
	s7 =	sor.u32 $0x10, s9;
	s5 =	sadd.s32 s11, s9  }
0xf: {  	s10 =	sor.u32 $0x20, s9;
	s15 =	sor.u32 $0x30, s9;
	s12 =	sadd.s32 s12, s31  }
0x10: {  	s13 =	smax.u32 s14, $0x1;
	s14 =	simm.s32 $0x2;
	s6 =	sadd.s32 s0, s7  }
0x11: {  	s7 =	sadd.s32 s11, s7;
	s8 =	sadd.s32 s0, s10;
	s9 =	sadd.s32 s11, s10  }
0x12: {  	v0 =	vimm.s32 $0x0;
	s10 =	sadd.s32 s0, s15;
	s11 =	sadd.s32 s11, s15;
	s15 =	simm.s32 $0x200  }
.LBB2_1:
0x13: {  	[tilespmem:s2], [sflag:$0x2] =	stream.linear.gather [hbm4b:s4+s2], $0x80, $0x38;
	[tilespmem:$0x8600] =	vst v63  }
0x14: {  	_ =	swait.ge [sflag:s14], $0x80  }
0x15: {  	[sflag:s14] =	ssyncset.done $0x0  }
0x16: {  	[sflag:s14] =	ssyncadd.s32 $0xFFFFFF80  }
0x17: {  	[tilespmem:s15], [sflag:$0x2] =	stream.linear.gather [hbm4b:s5+s2], $0x80, $0x38;
	[tilespmem:$0x8600] =	vst v63  }
0x18: {  	_ =	swait.ge [sflag:s14], $0x80  }
0x19: {  	[sflag:s14] =	ssyncset.done $0x0  }
0x1a: {  	[sflag:s14] =	ssyncadd.s32 $0xFFFFFF80  }
0x1b: {  	[tilespmem:s16], [sflag:$0x2] =	stream.linear.gather [hbm4b:s6+s2], $0x80, $0x38;
	[tilespmem:$0x8600] =	vst v63  }
0x1c: {  	_ =	swait.ge [sflag:s14], $0x80  }
0x1d: {  	[sflag:s14] =	ssyncset.done $0x0  }
0x1e: {  	[sflag:s14] =	ssyncadd.s32 $0xFFFFFF80  }
0x1f: {  	[tilespmem:s17], [sflag:$0x2] =	stream.linear.gather [hbm4b:s7+s2], $0x80, $0x38;
	[tilespmem:$0x8600] =	vst v63  }
0x20: {  	_ =	swait.ge [sflag:s14], $0x80  }
0x21: {  	[sflag:s14] =	ssyncset.done $0x0  }
0x22: {  	[sflag:s14] =	ssyncadd.s32 $0xFFFFFF80  }
0x23: {  	[tilespmem:s18], [sflag:$0x2] =	stream.linear.gather [hbm4b:s8+s2], $0x80, $0x38;
	[tilespmem:$0x8600] =	vst v63  }
0x24: {  	_ =	swait.ge [sflag:s14], $0x80  }
0x25: {  	[sflag:s14] =	ssyncset.done $0x0  }
0x26: {  	[sflag:s14] =	ssyncadd.s32 $0xFFFFFF80  }
0x27: {  	[tilespmem:s19], [sflag:$0x2] =	stream.linear.gather [hbm4b:s9+s2], $0x80, $0x38;
	[tilespmem:$0x8600] =	vst v63  }
0x28: {  	_ =	swait.ge [sflag:s14], $0x80  }
0x29: {  	[sflag:s14] =	ssyncset.done $0x0  }
0x2a: {  	[sflag:s14] =	ssyncadd.s32 $0xFFFFFF80  }
0x2b: {  	[tilespmem:s20], [sflag:$0x2] =	stream.linear.gather [hbm4b:s10+s2], $0x80, $0x38;
	[tilespmem:$0x8600] =	vst v63  }
0x2c: {  	_ =	swait.ge [sflag:s14], $0x80  }
0x2d: {  	[sflag:s14] =	ssyncset.done $0x0  }
0x2e: {  	[sflag:s14] =	ssyncadd.s32 $0xFFFFFF80  }
0x2f: {  	[tilespmem:s21], [sflag:$0x2] =	stream.linear.gather [hbm4b:s11+s2], $0x80, $0x38;
	[tilespmem:$0x8600] =	vst v63  }
0x30: {  	_ =	swait.ge [sflag:s14], $0x80  }
0x31: {  	[sflag:s14] =	ssyncset.done $0x0  }
0x32: {  	[sflag:s14] =	ssyncadd.s32 $0xFFFFFF80  }
0x33: {  	[tilespmem:s22], [sflag:$0x1] =	stream.indirect.gather [hbm4b:s3+s16], $0x40, s2, s16, $0xb8;
	[tilespmem:$0x8600] =	vst v63  }
0x34: {  	_ = 	snop  }
0x35: {  	[tilespmem:s23], [sflag:$0x1] =	stream.indirect.gather [hbm4b:s3+s16], $0x40, s16, s16, $0xb8;
	[tilespmem:$0x8600] =	vst v63  }
0x36: {  	_ = 	snop  }
0x37: {  	[tilespmem:s24], [sflag:$0x1] =	stream.indirect.gather [hbm4b:s3+s16], $0x40, s18, s16, $0xb8;
	[tilespmem:$0x8600] =	vst v63  }
0x38: {  	_ = 	snop  }
0x39: {  	[tilespmem:s25], [sflag:$0x1] =	stream.indirect.gather [hbm4b:s3+s16], $0x40, s20, s16, $0xb8;
	[tilespmem:$0x8600] =	vst v63  }
0x3a: {  	v1 =	vld [tilespmem:$0x200]  }
0x3b: {  	v2 =	vld [tilespmem:$0x210]  }
0x3c: {  	v3 =	vld [tilespmem:$0x220]  }
0x3d: {  	v4 =	vld [tilespmem:$0x230]  }
0x3e: {  	v5 =	vld [tilespmem:$0x240]  }
0x3f: {  	vm0 =	vgt.s32 v1, $0x0;
	v1 =	vld [tilespmem:$0x250]  }
0x40: {  	vm9 =	vgt.s32 v2, $0x0;
	v2 =	vld [tilespmem:$0x260]  }
0x41: {  	vm10 =	vgt.s32 v3, $0x0;
	v3 =	vld [tilespmem:$0x270];
	v6 =	vsel vm0, $0x3F800000, v0  }
0x42: {  	vm11 =	vgt.s32 v4, $0x0;
	v4 =	vld [tilespmem:$0x280];
	[tilespmem:$0x400] =	vst v6;
	v6 =	vsel vm9, $0x3F800000, v0  }
0x43: {  	vm12 =	vgt.s32 v5, $0x0;
	v5 =	vld [tilespmem:$0x290];
	[tilespmem:$0x410] =	vst v6;
	v6 =	vsel vm10, $0x3F800000, v0  }
0x44: {  	[tilespmem:$0x420] =	vst v6;
	v6 =	vsel vm11, $0x3F800000, v0;
	vm13 =	vgt.s32 v1, $0x0;
	v1 =	vld [tilespmem:$0x2A0]  }
0x45: {  	[tilespmem:$0x430] =	vst v6;
	v6 =	vsel vm12, $0x3F800000, v0;
	vm14 =	vgt.s32 v2, $0x0;
	v2 =	vld [tilespmem:$0x2B0]  }
0x46: {  	vm15 =	vgt.s32 v3, $0x0;
	v3 =	vld [tilespmem:$0x2C0];
	[tilespmem:$0x440] =	vst v6;
	v6 =	vsel vm13, $0x3F800000, v0  }
0x47: {  	vm4 =	vgt.s32 v4, $0x0;
	v4 =	vld [tilespmem:$0x2D0];
	[tilespmem:$0x450] =	vst v6;
	v6 =	vsel vm14, $0x3F800000, v0  }
0x48: {  	vm5 =	vgt.s32 v5, $0x0;
	v5 =	vld [tilespmem:$0x2E0];
	[tilespmem:$0x460] =	vst v6;
	v6 =	vsel vm15, $0x3F800000, v0  }
0x49: {  	[tilespmem:$0x470] =	vst v6;
	v6 =	vsel vm4, $0x3F800000, v0;
	vm6 =	vgt.s32 v1, $0x0;
	v1 =	vld [tilespmem:$0x2F0]  }
0x4a: {  	[tilespmem:$0x480] =	vst v6;
	v6 =	vsel vm5, $0x3F800000, v0;
	vm7 =	vgt.s32 v2, $0x0;
	v2 =	vld [tilespmem:$0x300]  }
0x4b: {  	vm8 =	vgt.s32 v3, $0x0;
	v3 =	vld [tilespmem:$0x310];
	[tilespmem:$0x490] =	vst v6;
	v6 =	vsel vm6, $0x3F800000, v0  }
0x4c: {  	vm9 =	vgt.s32 v4, $0x0;
	v4 =	vld [tilespmem:$0x320];
	[tilespmem:$0x4A0] =	vst v6;
	v6 =	vsel vm7, $0x3F800000, v0  }
0x4d: {  	vm10 =	vgt.s32 v5, $0x0;
	v5 =	vld [tilespmem:$0x330];
	[tilespmem:$0x4B0] =	vst v6;
	v6 =	vsel vm8, $0x3F800000, v0  }
0x4e: {  	[tilespmem:$0x4C0] =	vst v6;
	v6 =	vsel vm9, $0x3F800000, v0;
	vm11 =	vgt.s32 v1, $0x0;
	v1 =	vld [tilespmem:$0x340]  }
0x4f: {  	[tilespmem:$0x4D0] =	vst v6;
	v6 =	vsel vm10, $0x3F800000, v0;
	vm12 =	vgt.s32 v2, $0x0;
	v2 =	vld [tilespmem:$0x350]  }
0x50: {  	vm13 =	vgt.s32 v3, $0x0;
	v3 =	vld [tilespmem:$0x360];
	[tilespmem:$0x4E0] =	vst v6;
	v6 =	vsel vm11, $0x3F800000, v0  }
0x51: {  	vm14 =	vgt.s32 v4, $0x0;
	v4 =	vld [tilespmem:$0x370];
	[tilespmem:$0x4F0] =	vst v6;
	v6 =	vsel vm12, $0x3F800000, v0  }
0x52: {  	vm15 =	vgt.s32 v5, $0x0;
	v5 =	vld [tilespmem:$0x380];
	[tilespmem:$0x500] =	vst v6;
	v6 =	vsel vm13, $0x3F800000, v0  }
0x53: {  	[tilespmem:$0x510] =	vst v6;
	v6 =	vsel vm14, $0x3F800000, v0;
	vm4 =	vgt.s32 v1, $0x0;
	v1 =	vld [tilespmem:$0x390]  }
0x54: {  	[tilespmem:$0x520] =	vst v6;
	v6 =	vsel vm15, $0x3F800000, v0;
	vm5 =	vgt.s32 v2, $0x0;
	v2 =	vld [tilespmem:$0x3A0]  }
0x55: {  	vm6 =	vgt.s32 v3, $0x0;
	v3 =	vld [tilespmem:$0x3B0];
	[tilespmem:$0x530] =	vst v6;
	v6 =	vsel vm4, $0x3F800000, v0  }
0x56: {  	[tilespmem:$0x540] =	vst v6;
	v6 =	vsel vm5, $0x3F800000, v0  }
0x57: {  	vm7 =	vgt.s32 v4, $0x0;
	v4 =	vld [tilespmem:$0x3C0];
	[tilespmem:$0x550] =	vst v6;
	v6 =	vsel vm6, $0x3F800000, v0  }
0x58: {  	vm8 =	vgt.s32 v5, $0x0;
	v5 =	vld [tilespmem:$0x3D0];
	[tilespmem:$0x560] =	vst v6;
	v6 =	vsel vm7, $0x3F800000, v0  }
0x59: {  	[tilespmem:$0x570] =	vst v6;
	v6 =	vsel vm8, $0x3F800000, v0;
	vm9 =	vgt.s32 v1, $0x0;
	v1 =	vld [tilespmem:$0x3E0]  }
0x5a: {  	vm10 =	vgt.s32 v2, $0x0;
	v2 =	vld [tilespmem:$0x3F0];
	vm11 =	vgt.s32 v3, $0x0;
	[tilespmem:$0x580] =	vst v6;
	v6 =	vsel vm9, $0x3F800000, v0  }
0x5b: {  	v3 =	vsel vm11, $0x3F800000, v0;
	[tilespmem:$0x590] =	vst v6  }
0x5c: {  	vm12 =	vgt.s32 v4, $0x0;
	v6 =	vsel vm10, $0x3F800000, v0;
	[tilespmem:$0x5B0] =	vst v3  }
0x5d: {  	vm13 =	vgt.s32 v5, $0x0;
	v3 =	vsel vm12, $0x3F800000, v0;
	[tilespmem:$0x5A0] =	vst v6  }
0x5e: {  	[tilespmem:$0x5C0] =	vst v3;
	v3 =	vsel vm13, $0x3F800000, v0;
	vm14 =	vgt.s32 v1, $0x0  }
0x5f: {  	[tilespmem:$0x5D0] =	vst v3;
	vm15 =	vgt.s32 v2, $0x0;
	v1 =	vsel vm14, $0x3F800000, v0  }
0x60: {  	[tilespmem:$0x5E0] =	vst v1;
	v1 =	vsel vm15, $0x3F800000, v0  }
0x61: {  	[tilespmem:$0x5F0] =	vst v1  }
0x62: {  	_ =	swait.ge [sflag:s26], $0x2000  }
0x63: {  	[sflag:s26] =	ssyncset.done $0x0  }
0x64: {  	[sflag:s26] =	ssyncadd.s32 $0xFFFFE000  }
0x65: {  	_ =	swait.ge [sflag:s26], $0x2000  }
0x66: {  	[sflag:s26] =	ssyncset.done $0x0  }
0x67: {  	[sflag:s26] =	ssyncadd.s32 $0xFFFFE000  }
0x68: {  	_ =	swait.ge [sflag:s26], $0x2000  }
0x69: {  	[sflag:s26] =	ssyncset.done $0x0  }
0x6a: {  	[sflag:s26] =	ssyncadd.s32 $0xFFFFE000  }
0x6b: {  	v1 =	vmov s2;
	_ =	swait.ge [sflag:s26], $0x2000  }
0x6c: {  	[sflag:s26] =	ssyncset.done $0x0  }
0x6d: {  	s30 =	simm.s32 $0x620;
	[sflag:s26] =	ssyncadd.s32 $0xFFFFE000  }
0x6e: {  	v3 =	vld [tilespmem:s30+$0xFFFFFFF0]  }
0x6f: {  	v4 =	vld [tilespmem:s30+$0x10]  }
0x70: {  	v6 =	vld.idx.msk [tilespmem:v1+s28+$0x0], $0xffff  }
0x71: {  	v1 =	vld [tilespmem:s30+$0xFFFFFFE0]  }
0x72: {  	v7 =	vld [tilespmem:s30+$0x0];
	_ =	sdelay $0x3  }
0x73: {  	s0 =	simm.s32 $0x1;
	v2 =	vmul.f32 v1, v6;
	v5 =	vmul.f32 v4, v6  }
0x74: {  	s31 =	simm.s32 $0x2;
	v1 =	vmov s0;
	v4 =	vmul.f32 v3, v6;
	v3 =	vmul.f32 v7, v6;
	s0 =	simm.s32 $0x620  }
.LBB2_2:
0x75: {  	p0 =	sne.s32 s31, $0x1FF  }
0x76: {  	[tilespmem:s30+$0x10] =	vst v5;
	s0 =	sadd.s32 $0x40, s0;
	s1 =	smov.u32 s31;
	s31 =	sadd.s32 $0x1, s31  }
0x77: {  	[tilespmem:s30+$0xFFFFFFE0] =	vst v2  }
0x78: {  	v6 =	vld [tilespmem:s0+$0xFFFFFFF0];
	[tilespmem:s30+$0xFFFFFFF0] =	vst v4  }
0x79: {  	v4 =	vld [tilespmem:s0+$0x10];
	[tilespmem:s30+$0x0] =	vst v3;
	s30 =	smov.u32 s0  }
0x7a: {  	v3 =	vld.idx.msk [tilespmem:v1+s28+$0x0], $0xffff  }
0x7b: {  	v1 =	vld [tilespmem:s0+$0xFFFFFFE0]  }
0x7c: {  	v7 =	vld [tilespmem:s0+$0x0]  }
.Ltmp0:
0x7d: {  	(pc) =	sbr.rel @p0 .LBB2_2-.Ltmp0, $3  }
0x7e: {  	_ =	sdelay $0x1  }
0x7f: {  	v5 =	vmul.f32 v4, v3;
	v2 =	vmul.f32 v1, v3  }
0x80: {  	v4 =	vmul.f32 v6, v3;
	v1 =	vmov s1;
	v3 =	vmul.f32 v7, v3  }
0x81: {  	[tilespmem:s30+$0x10] =	vst v5  }
0x82: {  	s0 =	sadd.s32 $0x40, s0;
	[tilespmem:s30+$0xFFFFFFE0] =	vst v2  }
0x83: {  	v2 =	vld [tilespmem:s0+$0xFFFFFFF0];
	[tilespmem:s30+$0xFFFFFFF0] =	vst v4  }
0x84: {  	v4 =	vld [tilespmem:s0+$0x10];
	[tilespmem:s30+$0x0] =	vst v3  }
0x85: {  	v1 =	vld.idx.msk [tilespmem:v1+s28+$0x0], $0xffff  }
0x86: {  	v3 =	vld [tilespmem:s0+$0xFFFFFFE0];
	_ =	sdelay $0x1  }
0x87: {  	v5 =	vld [tilespmem:s0+$0x0];
	_ =	sdelay $0x1  }
0x88: {  	v4 =	vmul.f32 v4, v1  }
0x89: {  	v3 =	vmul.f32 v3, v1  }
0x8a: {  	v2 =	vmul.f32 v2, v1;
	[tilespmem:s0+$0x10] =	vst v4  }
0x8b: {  	s29 =	sadd.s32 $0x1, s29;
	v1 =	vmul.f32 v5, v1;
	[tilespmem:s0+$0xFFFFFFE0] =	vst v3  }
0x8c: {  	p0 =	sne.s32 s29, s13;
	[tilespmem:s0+$0xFFFFFFF0] =	vst v2  }
.Ltmp1:
0x8d: {  	[tilespmem:s0+$0x0] =	vst v1;
	(pc) =	sbr.rel @p0 .LBB2_1-.Ltmp1, $4  }
0x8e: {  	[hbm4b:s12+s2] =	stream.linear.scatter [tilespmem:s22], [sflag:$0x2], $0x8000, $0x38;
	[tilespmem:$0x8600] =	vst v63  }
0x8f: {  	_ =	swait.ge [sflag:s14], $0x8000  }
0x90: {  	[sflag:s14] =	ssyncset.done $0x0  }
0x91: {  	[sflag:s14] =	ssyncadd.s32 $0xFFFF8000  }
0x92: {  	_ =	sfence.sel $0x180000  }
0x93: {  	[bflag:$0x0] =	sbarrier.arrive $0xFFFF  }
0x94: {  	_ =	strace $0x90000047  }
0x95: {  	s0 =	stileid.u32;
	[bflag:$0x2] =	sbarrier.arrive $0xFFFF  }
0x96: {  	p0 =	sne.s32 s0, $0x0;
	s0 =	rddreg [dreg:$0x4]  }
0x97: {  	s0 =	sadd.s32 @!p0 $0x100000, s0  }
0x98: {  	[sflag:s0] =	ssyncadd.tile.s32 @!p0 $0x1;
	_ =	shalt  }
.Lfunc_end2:
_tile_overlayer_lowered:
.L_overlay_start_2:
0x99: {  	(tag) =	ssettag $0x2  }
0x9a: {  	s0 =	rddreg [dreg:$0x0];
	s2 =	stileid.u32  }
0x9b: {  	s1 =	rddreg [dreg:$0x1];
	p0 =	sne.s32 s2, $0x0  }
0x9c: {  	s3 =	rddreg [dreg:$0x2];
	[bflag:$0x3] =	sbarrier.arrive $0xFFFF;
	s2 =	simm.s32 @!p0 $0x1C02  }
0x9d: {  	[timem:s3], [sflag:s2] =	dma.local @!p0 [hbm:s0], s1  }
0x9e: {  	s0 =	simm.s32 @!p0 $0x2  }
0x9f: {  	_ =	swait.ge @!p0 [sflag:s0], s1  }
0xa0: {  	s1 =	ssub.s32 @!p0 $0x0, s1;
	[sflag:s0] =	ssyncset.done @!p0 $0x0  }
0xa1: {  	[sflag:s0] =	ssyncadd.s32 @!p0 s1  }
0xa2: {  	[bflag:$0x3] =	sbarrier.arrive $0xFFFF  }
0xa3: {  	_ =	shalt  }

</sc_bundles>
